<compile_context>
chip_gen: v7x
topology: tpu7x:2x2x1
jax: 0.10.2.dev20260603
libtpu: 0.0.44.dev20260713+nightly
codegen_flags: <defaults>
</compile_context>

<pallas_src>
import functools

import jax
import jax.numpy as jnp
from jax import lax
from jax.experimental import pallas as pl
from jax.experimental.pallas import tpu as pltpu
from jax.experimental.pallas import tpu_sc as plsc

_NC, _NS, _L = 2, 16, 16


@functools.lru_cache(maxsize=None)
def _make_sc(B, S, D, nt):
    NW = _NC * _NS
    wpw = S // NW
    CH = 4
    CE = CH * D
    npc = wpw // CH
    npt = B * npc
    NB = 8
    K = 4
    cshift = (D // _L).bit_length() - 1
    cmask = (D // _L) - 1
    pshift = npc.bit_length() - 1
    pmask = npc - 1

    mesh = plsc.VectorSubcoreMesh(core_axis_name="c", subcore_axis_name="s")
    out_t = jax.ShapeDtypeStruct((B * S, D), jnp.float32)

    @functools.partial(
        pl.kernel,
        mesh=mesh,
        out_type=[out_t] * nt,
        scratch_types=(
            [pltpu.VMEM((CH, D), jnp.float32) for _ in range(NB)]
            + [pltpu.VMEM((wpw, D), jnp.float32)]
            + [pltpu.SemaphoreType.DMA for _ in range(2 * NB)]
        ),
    )
    def k(*args):
        ins = args[:nt]
        p_hbm = args[nt]
        outs = args[nt + 1:2 * nt + 1]
        scratch = args[2 * nt + 1:]
        xb = scratch[:NB]
        pall = scratch[NB]
        in_s = scratch[NB + 1:NB + 1 + NB]
        out_s = scratch[NB + 1 + NB:]

        wid = lax.axis_index("s") * _NC + lax.axis_index("c")
        prow0 = wid * wpw

        def rbase(ci):
            b = lax.shift_right_logical(ci, pshift)
            pc = lax.bitwise_and(ci, pmask)
            return b * S + prow0 + pc * CH

        def prow(ci):
            return lax.bitwise_and(ci, pmask) * CH

        def compute(q, ci):
            xq = xb[q]
            pr = prow(ci)

            @plsc.parallel_loop(0, CE // _L, unroll=8)
            def _(i):
                r = lax.shift_right_logical(i, cshift)
                c = pl.multiple_of(
                    lax.shift_left(lax.bitwise_and(i, cmask), 4), _L)
                plsc.addupdate(xq.at[r, pl.ds(c, _L)],
                               pall[pr + r, pl.ds(c, _L)])

        pltpu.sync_copy(p_hbm.at[pl.ds(prow0, wpw)], pall)

        for t in range(nt):
            x_hbm, o_hbm = ins[t], outs[t]

            def issue_in(ci, q):
                pltpu.async_copy(x_hbm.at[pl.ds(rbase(ci), CH)],
                                 xb[q], in_s[q])

            def wait_in(q):
                pltpu.make_async_copy(
                    x_hbm.at[pl.ds(0, CH)], xb[q], in_s[q]).wait()

            def issue_out(ci, q):
                pltpu.async_copy(xb[q], o_hbm.at[pl.ds(rbase(ci), CH)],
                                 out_s[q])

            def wait_out(q):
                pltpu.make_async_copy(
                    xb[q], o_hbm.at[pl.ds(0, CH)], out_s[q]).wait()

            for q in range(K):
                issue_in(q, q)

            n_it = npt // NB

            @pl.loop(0, n_it)
            def _(j):
                for q in range(NB):
                    ci = j * NB + q
                    wait_in(q)
                    compute(q, ci)
                    issue_out(ci, q)
                    nq = (q + K) % NB
                    if q < NB - K:
                        @pl.when(j > 0)
                        def _():
                            wait_out(nq)
                        issue_in(ci + K, nq)
                    else:
                        @pl.when(j < n_it - 1)
                        def _():
                            wait_out(nq)
                            issue_in(ci + K, nq)

            for q in range(NB):
                wait_out(q)

    return k


def _tc_body2(x0_ref, x1_ref, pos_ref, o0, o1):
    p = pos_ref[...]
    o0[0] = x0_ref[0] + p
    o1[0] = x1_ref[0] + p


def _tc_body3(x0_ref, x1_ref, x2_ref, pos_ref, o0, o1, o2):
    p = pos_ref[...]
    o0[0] = x0_ref[0] + p
    o1[0] = x1_ref[0] + p
    o2[0] = x2_ref[0] + p


@functools.lru_cache(maxsize=None)
def _make_tc(B, S, D, nt, BS=512):
    x_spec = pl.BlockSpec((1, BS, D), lambda s, b: (b, s, 0))
    pos_spec = pl.BlockSpec((BS, D), lambda s, b: (s, 0))
    out_shape = jax.ShapeDtypeStruct((B, S, D), jnp.float32)
    body = {2: _tc_body2, 3: _tc_body3}[nt]
    return pl.pallas_call(
        body,
        grid=(S // BS, B),
        in_specs=[x_spec] * nt + [pos_spec],
        out_specs=[x_spec] * nt,
        out_shape=[out_shape] * nt,
    )


def kernel(rtg, state, action, pos_table):
    B, S, D = rtg.shape
    pos = pos_table[:S]
    (o2,) = _make_sc(B, S, D, 1)(action.reshape(B * S, D), pos)
    o0, o1 = _make_tc(B, S, D, 2, BS=1024)(rtg, state, pos)
    return (o0, o1, o2.reshape(B, S, D))

# --- scband reference (transcript-rebuilt; emitter-appended) ---
"""Pipeline reference for scband-learned-position-51333449122138 (READ-ONLY COPY).

The authoritative reference and input builder live on the scoring server;
editing this copy changes nothing except your own understanding.
"""

import jax, jax.numpy as jnp
import numpy as np

B, S, D = 4, 2048, 1024
CONTEXT_SIZE = 2048

def setup_inputs(seed: int = 0) -> dict:
    key = jax.random.key(seed)
    k1, k2, k3, k4 = jax.random.split(key, 4)
    rtg = jax.random.normal(k1, (B, S, D), dtype=jnp.float32)
    state = jax.random.normal(k2, (B, S, D), dtype=jnp.float32)
    action = jax.random.normal(k3, (B, S, D), dtype=jnp.float32)
    # learned position embedding table, matches nn.Embedding(context_size, embed_dim) default init N(0,1)
    pos_table = jax.random.normal(k4, (CONTEXT_SIZE, D), dtype=jnp.float32)
    return {"rtg": rtg, "state": state, "action": action, "pos_table": pos_table}

def reference(rtg, state, action, pos_table):
    seq_len = rtg.shape[1]
    idx = jnp.arange(seq_len)
    p = jnp.take(pos_table, idx, axis=0)[None, :, :]  # [1, S, D]
    return (rtg + p, state + p, action + p)

if __name__ == "__main__":
    import jax
    _d = setup_inputs()
    print(jax.jit(kernel)(*tuple(_d.values())))

</pallas_src>

<mosaic_0001>
#map = affine_map<(d0, d1) -> (0, 0)>
module attributes {stable_mosaic.version = 14 : i64} {
  func.func @k(%arg0: i32, %arg1: i32, %arg2: memref<8192x1024xf32, #tpu.memory_space<hbm>>, %arg3: memref<2048x1024xf32, #tpu.memory_space<hbm>>, %arg4: memref<8192x1024xf32, #tpu.memory_space<hbm>>, %arg5: memref<4x1024xf32, #tpu.memory_space<vmem>>, %arg6: memref<4x1024xf32, #tpu.memory_space<vmem>>, %arg7: memref<4x1024xf32, #tpu.memory_space<vmem>>, %arg8: memref<4x1024xf32, #tpu.memory_space<vmem>>, %arg9: memref<4x1024xf32, #tpu.memory_space<vmem>>, %arg10: memref<4x1024xf32, #tpu.memory_space<vmem>>, %arg11: memref<4x1024xf32, #tpu.memory_space<vmem>>, %arg12: memref<4x1024xf32, #tpu.memory_space<vmem>>, %arg13: memref<64x1024xf32, #tpu.memory_space<vmem>>, %arg14: memref<!tpu.dma_semaphore, #tpu.memory_space<semaphore_mem>>, %arg15: memref<!tpu.dma_semaphore, #tpu.memory_space<semaphore_mem>>, %arg16: memref<!tpu.dma_semaphore, #tpu.memory_space<semaphore_mem>>, %arg17: memref<!tpu.dma_semaphore, #tpu.memory_space<semaphore_mem>>, %arg18: memref<!tpu.dma_semaphore, #tpu.memory_space<semaphore_mem>>, %arg19: memref<!tpu.dma_semaphore, #tpu.memory_space<semaphore_mem>>, %arg20: memref<!tpu.dma_semaphore, #tpu.memory_space<semaphore_mem>>, %arg21: memref<!tpu.dma_semaphore, #tpu.memory_space<semaphore_mem>>, %arg22: memref<!tpu.dma_semaphore, #tpu.memory_space<semaphore_mem>>, %arg23: memref<!tpu.dma_semaphore, #tpu.memory_space<semaphore_mem>>, %arg24: memref<!tpu.dma_semaphore, #tpu.memory_space<semaphore_mem>>, %arg25: memref<!tpu.dma_semaphore, #tpu.memory_space<semaphore_mem>>, %arg26: memref<!tpu.dma_semaphore, #tpu.memory_space<semaphore_mem>>, %arg27: memref<!tpu.dma_semaphore, #tpu.memory_space<semaphore_mem>>, %arg28: memref<!tpu.dma_semaphore, #tpu.memory_space<semaphore_mem>>, %arg29: memref<!tpu.dma_semaphore, #tpu.memory_space<semaphore_mem>>) attributes {dimension_semantics = [#tpu.dimension_semantics<core_parallel>, #tpu.dimension_semantics<subcore_parallel>], iteration_bounds = array<i64: 2, 16>, scalar_prefetch = 0 : i64, scratch_operands = 25 : i64, tpu.core_type = #tpu.core_type<sc_vector_subcore>, window_params = [{transform_indices = #map}, {transform_indices = #map}, {transform_indices = #map}]} {
    %mul3A = arith.constant 2 : i32
    %mul3A_0 = arith.muli %arg1, %mul3A : i32
    %add3A = arith.addi %mul3A_0, %arg0 : i32
    %mul3A_1 = arith.constant 64 : i32
    %mul3A_2 = arith.muli %add3A, %mul3A_1 : i32
    "tpu.region"() ({
      %run_scoped3A = tpu.sem_alloc : memref<!tpu.dma_semaphore, #tpu.memory_space<semaphore_mem>>
      %dma_start3A_115 = arith.constant 0 : i32
      %dma_start3A_116 = tpu.memref_slice %arg3[%mul3A_2, %dma_start3A_115] : memref<2048x1024xf32, #tpu.memory_space<hbm>> -> memref<64x1024xf32, #tpu.memory_space<hbm>>
      %dma_start3A_117 = arith.constant 0 : i32
      %dma_start3A_118 = tpu.memref_slice %arg3[%mul3A_2, %dma_start3A_117] : memref<2048x1024xf32, #tpu.memory_space<hbm>> -> memref<64x1024xf32, #tpu.memory_space<hbm>>
      tpu.enqueue_dma source(%dma_start3A_118 : memref<64x1024xf32, #tpu.memory_space<hbm>>) target(%arg13 : memref<64x1024xf32, #tpu.memory_space<vmem>>) target_semaphore(%run_scoped3A : memref<!tpu.dma_semaphore, #tpu.memory_space<semaphore_mem>>)
      %dma_wait3A_119 = arith.constant 0 : i32
      %dma_wait3A_120 = tpu.memref_slice %arg3[%mul3A_2, %dma_wait3A_119] : memref<2048x1024xf32, #tpu.memory_space<hbm>> -> memref<64x1024xf32, #tpu.memory_space<hbm>>
      %dma_wait3A_121 = arith.constant 0 : i32
      %dma_wait3A_122 = tpu.memref_slice %arg3[%mul3A_2, %dma_wait3A_121] : memref<2048x1024xf32, #tpu.memory_space<hbm>> -> memref<64x1024xf32, #tpu.memory_space<hbm>>
      tpu.wait_dma2 semaphore(%run_scoped3A : memref<!tpu.dma_semaphore, #tpu.memory_space<semaphore_mem>>) src(%dma_wait3A_122 : memref<64x1024xf32, #tpu.memory_space<hbm>>) dst(%arg13 : memref<64x1024xf32, #tpu.memory_space<vmem>>)
      tpu.yield
    }) : () -> ()
    %shift_right_logical3A = arith.constant 0 : i32
    %shift_right_logical3A_3 = arith.constant 4 : i32
    %shift_right_logical3A_4 = arith.shrui %shift_right_logical3A, %shift_right_logical3A_3 : i32
    %and3A = arith.constant 0 : i32
    %and3A_5 = arith.constant 15 : i32
    %and3A_6 = arith.andi %and3A, %and3A_5 : i32
    %mul3A_7 = arith.constant 2048 : i32
    %mul3A_8 = arith.muli %shift_right_logical3A_4, %mul3A_7 : i32
    %add3A_9 = arith.addi %mul3A_8, %mul3A_2 : i32
    %mul3A_10 = arith.constant 4 : i32
    %mul3A_11 = arith.muli %and3A_6, %mul3A_10 : i32
    %add3A_12 = arith.addi %add3A_9, %mul3A_11 : i32
    %dma_start3A = arith.constant 0 : i32
    %dma_start3A_13 = tpu.memref_slice %arg2[%add3A_12, %dma_start3A] : memref<8192x1024xf32, #tpu.memory_space<hbm>> -> memref<4x1024xf32, #tpu.memory_space<hbm>>
    %dma_start3A_14 = arith.constant 0 : i32
    %dma_start3A_15 = tpu.memref_slice %arg2[%add3A_12, %dma_start3A_14] : memref<8192x1024xf32, #tpu.memory_space<hbm>> -> memref<4x1024xf32, #tpu.memory_space<hbm>>
    tpu.enqueue_dma source(%dma_start3A_15 : memref<4x1024xf32, #tpu.memory_space<hbm>>) target(%arg5 : memref<4x1024xf32, #tpu.memory_space<vmem>>) target_semaphore(%arg14 : memref<!tpu.dma_semaphore, #tpu.memory_space<semaphore_mem>>)
    %shift_right_logical3A_16 = arith.constant 1 : i32
    %shift_right_logical3A_17 = arith.constant 4 : i32
    %shift_right_logical3A_18 = arith.shrui %shift_right_logical3A_16, %shift_right_logical3A_17 : i32
    %and3A_19 = arith.constant 1 : i32
    %and3A_20 = arith.constant 15 : i32
    %and3A_21 = arith.andi %and3A_19, %and3A_20 : i32
    %mul3A_22 = arith.constant 2048 : i32
    %mul3A_23 = arith.muli %shift_right_logical3A_18, %mul3A_22 : i32
    %add3A_24 = arith.addi %mul3A_23, %mul3A_2 : i32
    %mul3A_25 = arith.constant 4 : i32
    %mul3A_26 = arith.muli %and3A_21, %mul3A_25 : i32
    %add3A_27 = arith.addi %add3A_24, %mul3A_26 : i32
    %dma_start3A_28 = arith.constant 0 : i32
    %dma_start3A_29 = tpu.memref_slice %arg2[%add3A_27, %dma_start3A_28] : memref<8192x1024xf32, #tpu.memory_space<hbm>> -> memref<4x1024xf32, #tpu.memory_space<hbm>>
    %dma_start3A_30 = arith.constant 0 : i32
    %dma_start3A_31 = tpu.memref_slice %arg2[%add3A_27, %dma_start3A_30] : memref<8192x1024xf32, #tpu.memory_space<hbm>> -> memref<4x1024xf32, #tpu.memory_space<hbm>>
    tpu.enqueue_dma source(%dma_start3A_31 : memref<4x1024xf32, #tpu.memory_space<hbm>>) target(%arg6 : memref<4x1024xf32, #tpu.memory_space<vmem>>) target_semaphore(%arg15 : memref<!tpu.dma_semaphore, #tpu.memory_space<semaphore_mem>>)
    %shift_right_logical3A_32 = arith.constant 2 : i32
    %shift_right_logical3A_33 = arith.constant 4 : i32
    %shift_right_logical3A_34 = arith.shrui %shift_right_logical3A_32, %shift_right_logical3A_33 : i32
    %and3A_35 = arith.constant 2 : i32
    %and3A_36 = arith.constant 15 : i32
    %and3A_37 = arith.andi %and3A_35, %and3A_36 : i32
    %mul3A_38 = arith.constant 2048 : i32
    %mul3A_39 = arith.muli %shift_right_logical3A_34, %mul3A_38 : i32
    %add3A_40 = arith.addi %mul3A_39, %mul3A_2 : i32
    %mul3A_41 = arith.constant 4 : i32
    %mul3A_42 = arith.muli %and3A_37, %mul3A_41 : i32
    %add3A_43 = arith.addi %add3A_40, %mul3A_42 : i32
    %dma_start3A_44 = arith.constant 0 : i32
    %dma_start3A_45 = tpu.memref_slice %arg2[%add3A_43, %dma_start3A_44] : memref<8192x1024xf32, #tpu.memory_space<hbm>> -> memref<4x1024xf32, #tpu.memory_space<hbm>>
    %dma_start3A_46 = arith.constant 0 : i32
    %dma_start3A_47 = tpu.memref_slice %arg2[%add3A_43, %dma_start3A_46] : memref<8192x1024xf32, #tpu.memory_space<hbm>> -> memref<4x1024xf32, #tpu.memory_space<hbm>>
    tpu.enqueue_dma source(%dma_start3A_47 : memref<4x1024xf32, #tpu.memory_space<hbm>>) target(%arg7 : memref<4x1024xf32, #tpu.memory_space<vmem>>) target_semaphore(%arg16 : memref<!tpu.dma_semaphore, #tpu.memory_space<semaphore_mem>>)
    %shift_right_logical3A_48 = arith.constant 3 : i32
    %shift_right_logical3A_49 = arith.constant 4 : i32
    %shift_right_logical3A_50 = arith.shrui %shift_right_logical3A_48, %shift_right_logical3A_49 : i32
    %and3A_51 = arith.constant 3 : i32
    %and3A_52 = arith.constant 15 : i32
    %and3A_53 = arith.andi %and3A_51, %and3A_52 : i32
    %mul3A_54 = arith.constant 2048 : i32
    %mul3A_55 = arith.muli %shift_right_logical3A_50, %mul3A_54 : i32
    %add3A_56 = arith.addi %mul3A_55, %mul3A_2 : i32
    %mul3A_57 = arith.constant 4 : i32
    %mul3A_58 = arith.muli %and3A_53, %mul3A_57 : i32
    %add3A_59 = arith.addi %add3A_56, %mul3A_58 : i32
    %dma_start3A_60 = arith.constant 0 : i32
    %dma_start3A_61 = tpu.memref_slice %arg2[%add3A_59, %dma_start3A_60] : memref<8192x1024xf32, #tpu.memory_space<hbm>> -> memref<4x1024xf32, #tpu.memory_space<hbm>>
    %dma_start3A_62 = arith.constant 0 : i32
    %dma_start3A_63 = tpu.memref_slice %arg2[%add3A_59, %dma_start3A_62] : memref<8192x1024xf32, #tpu.memory_space<hbm>> -> memref<4x1024xf32, #tpu.memory_space<hbm>>
    tpu.enqueue_dma source(%dma_start3A_63 : memref<4x1024xf32, #tpu.memory_space<hbm>>) target(%arg8 : memref<4x1024xf32, #tpu.memory_space<vmem>>) target_semaphore(%arg17 : memref<!tpu.dma_semaphore, #tpu.memory_space<semaphore_mem>>)
    %scan3A = arith.constant 0 : i32
    %scan3A_64 = arith.constant 8 : i32
    %scan3A_65 = arith.addi %scan3A, %scan3A_64 : i32
    %scan3A_66 = arith.constant 1 : i32
    scf.for %scan3A_115 = %scan3A to %scan3A_65 step %scan3A_66  : i32 {
      %mul3A_116 = arith.constant 1 : i32
      %mul3A_117 = arith.muli %scan3A_115, %mul3A_116 : i32
      %add3A_118 = arith.constant 0 : i32
      %add3A_119 = arith.addi %add3A_118, %mul3A_117 : i32
      %mul3A_120 = arith.constant 8 : i32
      %mul3A_121 = arith.muli %add3A_119, %mul3A_120 : i32
      %add3A_122 = arith.constant 0 : i32
      %add3A_123 = arith.addi %mul3A_121, %add3A_122 : i32
      %dma_wait3A_124 = arith.constant 0 : i32
      %dma_wait3A_125 = arith.constant 0 : i32
      %dma_wait3A_126 = tpu.memref_slice %arg2[%dma_wait3A_124, %dma_wait3A_125] : memref<8192x1024xf32, #tpu.memory_space<hbm>> -> memref<4x1024xf32, #tpu.memory_space<hbm>>
      %dma_wait3A_127 = arith.constant 0 : i32
      %dma_wait3A_128 = arith.constant 0 : i32
      %dma_wait3A_129 = tpu.memref_slice %arg2[%dma_wait3A_127, %dma_wait3A_128] : memref<8192x1024xf32, #tpu.memory_space<hbm>> -> memref<4x1024xf32, #tpu.memory_space<hbm>>
      tpu.wait_dma2 semaphore(%arg14 : memref<!tpu.dma_semaphore, #tpu.memory_space<semaphore_mem>>) src(%dma_wait3A_129 : memref<4x1024xf32, #tpu.memory_space<hbm>>) dst(%arg5 : memref<4x1024xf32, #tpu.memory_space<vmem>>)
      %and3A_130 = arith.constant 15 : i32
      %and3A_131 = arith.andi %add3A_123, %and3A_130 : i32
      %mul3A_132 = arith.constant 4 : i32
      %mul3A_133 = arith.muli %and3A_131, %mul3A_132 : i32
      %parallel_loop3A = arith.constant 0 : i32
      %parallel_loop3A_134 = arith.constant 256 : i32
      %parallel_loop3A_135 = arith.constant 1 : i32
      scf.for %parallel_loop3A_467 = %parallel_loop3A to %parallel_loop3A_134 step %parallel_loop3A_135  : i32 {
        %parallel_loop3A_468 = arith.constant 6 : i32
        %parallel_loop3A_469 = arith.shrui %parallel_loop3A_467, %parallel_loop3A_468 : i32
        %parallel_loop3A_470 = arith.constant 63 : i32
        %parallel_loop3A_471 = arith.andi %parallel_loop3A_467, %parallel_loop3A_470 : i32
        %parallel_loop3A_472 = arith.constant 4 : i32
        %parallel_loop3A_473 = arith.shli %parallel_loop3A_471, %parallel_loop3A_472 : i32
        %parallel_loop3A_474 = tpu.assume_multiple %parallel_loop3A_473, 16 : i32
        %parallel_loop3A_475 = arith.addi %mul3A_133, %parallel_loop3A_469 : i32
        %parallel_loop3A_476 = arith.index_cast %parallel_loop3A_475 : i32 to index
        %parallel_loop3A_477 = arith.index_cast %parallel_loop3A_474 : i32 to index
        %parallel_loop3A_478 = tpu.vector_load %arg13[%parallel_loop3A_476, %parallel_loop3A_477] {strides = array<i32>} : memref<64x1024xf32, #tpu.memory_space<vmem>>, vector<1x16xf32>,
        %parallel_loop3A_479 = vector.shape_cast %parallel_loop3A_478 : vector<1x16xf32> to vector<16xf32>
        %parallel_loop3A_480 = arith.index_cast %parallel_loop3A_469 : i32 to index
        %parallel_loop3A_481 = arith.index_cast %parallel_loop3A_474 : i32 to index
        %parallel_loop3A_482 = tpu.vector_load %arg5[%parallel_loop3A_480, %parallel_loop3A_481] {strides = array<i32>} : memref<4x1024xf32, #tpu.memory_space<vmem>>, vector<1x16xf32>,
        %parallel_loop3A_483 = vector.shape_cast %parallel_loop3A_482 : vector<1x16xf32> to vector<16xf32>
        %parallel_loop3A_484 = vector.shape_cast %parallel_loop3A_479 : vector<16xf32> to vector<1x16xf32>
        tpu.vector_store %arg5[%parallel_loop3A_480, %parallel_loop3A_481], %parallel_loop3A_484 {add = true, strides = array<i32>} : memref<4x1024xf32, #tpu.memory_space<vmem>>, vector<1x16xf32>,
      } {sc.loop_unroll_factor = 8 : i64, sc.parallel_access}
      %shift_right_logical3A_136 = arith.constant 4 : i32
      %shift_right_logical3A_137 = arith.shrui %add3A_123, %shift_right_logical3A_136 : i32
      %and3A_138 = arith.constant 15 : i32
      %and3A_139 = arith.andi %add3A_123, %and3A_138 : i32
      %mul3A_140 = arith.constant 2048 : i32
      %mul3A_141 = arith.muli %shift_right_logical3A_137, %mul3A_140 : i32
      %add3A_142 = arith.addi %mul3A_141, %mul3A_2 : i32
      %mul3A_143 = arith.constant 4 : i32
      %mul3A_144 = arith.muli %and3A_139, %mul3A_143 : i32
      %add3A_145 = arith.addi %add3A_142, %mul3A_144 : i32
      %dma_start3A_146 = arith.constant 0 : i32
      %dma_start3A_147 = tpu.memref_slice %arg4[%add3A_145, %dma_start3A_146] : memref<8192x1024xf32, #tpu.memory_space<hbm>> -> memref<4x1024xf32, #tpu.memory_space<hbm>>
      %dma_start3A_148 = arith.constant 0 : i32
      %dma_start3A_149 = tpu.memref_slice %arg4[%add3A_145, %dma_start3A_148] : memref<8192x1024xf32, #tpu.memory_space<hbm>> -> memref<4x1024xf32, #tpu.memory_space<hbm>>
      tpu.enqueue_dma source(%arg5 : memref<4x1024xf32, #tpu.memory_space<vmem>>) target(%dma_start3A_149 : memref<4x1024xf32, #tpu.memory_space<hbm>>) target_semaphore(%arg22 : memref<!tpu.dma_semaphore, #tpu.memory_space<semaphore_mem>>)
      %gt3A = arith.constant 0 : i32
      %gt3A_150 = arith.cmpi sgt, %add3A_119, %gt3A : i32
      %convert_element_type3A = arith.extui %gt3A_150 : i1 to i32
      %cond3A = arith.constant 0 : i32
      %cond3A_151 = arith.cmpi ne, %convert_element_type3A, %cond3A : i32
      scf.if %cond3A_151 {
        %dma_wait3A_467 = arith.constant 0 : i32
        %dma_wait3A_468 = arith.constant 0 : i32
        %dma_wait3A_469 = tpu.memref_slice %arg4[%dma_wait3A_467, %dma_wait3A_468] : memref<8192x1024xf32, #tpu.memory_space<hbm>> -> memref<4x1024xf32, #tpu.memory_space<hbm>>
        %dma_wait3A_470 = arith.constant 0 : i32
        %dma_wait3A_471 = arith.constant 0 : i32
        %dma_wait3A_472 = tpu.memref_slice %arg4[%dma_wait3A_470, %dma_wait3A_471] : memref<8192x1024xf32, #tpu.memory_space<hbm>> -> memref<4x1024xf32, #tpu.memory_space<hbm>>
        tpu.wait_dma2 semaphore(%arg26 : memref<!tpu.dma_semaphore, #tpu.memory_space<semaphore_mem>>) src(%arg9 : memref<4x1024xf32, #tpu.memory_space<vmem>>) dst(%dma_wait3A_472 : memref<4x1024xf32, #tpu.memory_space<hbm>>)
      } else {
      }
      %add3A_152 = arith.constant 4 : i32
      %add3A_153 = arith.addi %add3A_123, %add3A_152 : i32
      %shift_right_logical3A_154 = arith.constant 4 : i32
      %shift_right_logical3A_155 = arith.shrui %add3A_153, %shift_right_logical3A_154 : i32
      %and3A_156 = arith.constant 15 : i32
      %and3A_157 = arith.andi %add3A_153, %and3A_156 : i32
      %mul3A_158 = arith.constant 2048 : i32
      %mul3A_159 = arith.muli %shift_right_logical3A_155, %mul3A_158 : i32
      %add3A_160 = arith.addi %mul3A_159, %mul3A_2 : i32
      %mul3A_161 = arith.constant 4 : i32
      %mul3A_162 = arith.muli %and3A_157, %mul3A_161 : i32
      %add3A_163 = arith.addi %add3A_160, %mul3A_162 : i32
      %dma_start3A_164 = arith.constant 0 : i32
      %dma_start3A_165 = tpu.memref_slice %arg2[%add3A_163, %dma_start3A_164] : memref<8192x1024xf32, #tpu.memory_space<hbm>> -> memref<4x1024xf32, #tpu.memory_space<hbm>>
      %dma_start3A_166 = arith.constant 0 : i32
      %dma_start3A_167 = tpu.memref_slice %arg2[%add3A_163, %dma_start3A_166] : memref<8192x1024xf32, #tpu.memory_space<hbm>> -> memref<4x1024xf32, #tpu.memory_space<hbm>>
      tpu.enqueue_dma source(%dma_start3A_167 : memref<4x1024xf32, #tpu.memory_space<hbm>>) target(%arg9 : memref<4x1024xf32, #tpu.memory_space<vmem>>) target_semaphore(%arg18 : memref<!tpu.dma_semaphore, #tpu.memory_space<semaphore_mem>>)
      %mul3A_168 = arith.constant 8 : i32
      %mul3A_169 = arith.muli %add3A_119, %mul3A_168 : i32
      %add3A_170 = arith.constant 1 : i32
      %add3A_171 = arith.addi %mul3A_169, %add3A_170 : i32
      %dma_wait3A_172 = arith.constant 0 : i32
      %dma_wait3A_173 = arith.constant 0 : i32
      %dma_wait3A_174 = tpu.memref_slice %arg2[%dma_wait3A_172, %dma_wait3A_173] : memref<8192x1024xf32, #tpu.memory_space<hbm>> -> memref<4x1024xf32, #tpu.memory_space<hbm>>
      %dma_wait3A_175 = arith.constant 0 : i32
      %dma_wait3A_176 = arith.constant 0 : i32
      %dma_wait3A_177 = tpu.memref_slice %arg2[%dma_wait3A_175, %dma_wait3A_176] : memref<8192x1024xf32, #tpu.memory_space<hbm>> -> memref<4x1024xf32, #tpu.memory_space<hbm>>
      tpu.wait_dma2 semaphore(%arg15 : memref<!tpu.dma_semaphore, #tpu.memory_space<semaphore_mem>>) src(%dma_wait3A_177 : memref<4x1024xf32, #tpu.memory_space<hbm>>) dst(%arg6 : memref<4x1024xf32, #tpu.memory_space<vmem>>)
      %and3A_178 = arith.constant 15 : i32
      %and3A_179 = arith.andi %add3A_171, %and3A_178 : i32
      %mul3A_180 = arith.constant 4 : i32
      %mul3A_181 = arith.muli %and3A_179, %mul3A_180 : i32
      %parallel_loop3A_182 = arith.constant 0 : i32
      %parallel_loop3A_183 = arith.constant 256 : i32
      %parallel_loop3A_184 = arith.constant 1 : i32
      scf.for %parallel_loop3A_467 = %parallel_loop3A_182 to %parallel_loop3A_183 step %parallel_loop3A_184  : i32 {
        %parallel_loop3A_468 = arith.constant 6 : i32
        %parallel_loop3A_469 = arith.shrui %parallel_loop3A_467, %parallel_loop3A_468 : i32
        %parallel_loop3A_470 = arith.constant 63 : i32
        %parallel_loop3A_471 = arith.andi %parallel_loop3A_467, %parallel_loop3A_470 : i32
        %parallel_loop3A_472 = arith.constant 4 : i32
        %parallel_loop3A_473 = arith.shli %parallel_loop3A_471, %parallel_loop3A_472 : i32
        %parallel_loop3A_474 = tpu.assume_multiple %parallel_loop3A_473, 16 : i32
        %parallel_loop3A_475 = arith.addi %mul3A_181, %parallel_loop3A_469 : i32
        %parallel_loop3A_476 = arith.index_cast %parallel_loop3A_475 : i32 to index
        %parallel_loop3A_477 = arith.index_cast %parallel_loop3A_474 : i32 to index
        %parallel_loop3A_478 = tpu.vector_load %arg13[%parallel_loop3A_476, %parallel_loop3A_477] {strides = array<i32>} : memref<64x1024xf32, #tpu.memory_space<vmem>>, vector<1x16xf32>,
        %parallel_loop3A_479 = vector.shape_cast %parallel_loop3A_478 : vector<1x16xf32> to vector<16xf32>
        %parallel_loop3A_480 = arith.index_cast %parallel_loop3A_469 : i32 to index
        %parallel_loop3A_481 = arith.index_cast %parallel_loop3A_474 : i32 to index
        %parallel_loop3A_482 = tpu.vector_load %arg6[%parallel_loop3A_480, %parallel_loop3A_481] {strides = array<i32>} : memref<4x1024xf32, #tpu.memory_space<vmem>>, vector<1x16xf32>,
        %parallel_loop3A_483 = vector.shape_cast %parallel_loop3A_482 : vector<1x16xf32> to vector<16xf32>
        %parallel_loop3A_484 = vector.shape_cast %parallel_loop3A_479 : vector<16xf32> to vector<1x16xf32>
        tpu.vector_store %arg6[%parallel_loop3A_480, %parallel_loop3A_481], %parallel_loop3A_484 {add = true, strides = array<i32>} : memref<4x1024xf32, #tpu.memory_space<vmem>>, vector<1x16xf32>,
      } {sc.loop_unroll_factor = 8 : i64, sc.parallel_access}
      %shift_right_logical3A_185 = arith.constant 4 : i32
      %shift_right_logical3A_186 = arith.shrui %add3A_171, %shift_right_logical3A_185 : i32
      %and3A_187 = arith.constant 15 : i32
      %and3A_188 = arith.andi %add3A_171, %and3A_187 : i32
      %mul3A_189 = arith.constant 2048 : i32
      %mul3A_190 = arith.muli %shift_right_logical3A_186, %mul3A_189 : i32
      %add3A_191 = arith.addi %mul3A_190, %mul3A_2 : i32
      %mul3A_192 = arith.constant 4 : i32
      %mul3A_193 = arith.muli %and3A_188, %mul3A_192 : i32
      %add3A_194 = arith.addi %add3A_191, %mul3A_193 : i32
      %dma_start3A_195 = arith.constant 0 : i32
      %dma_start3A_196 = tpu.memref_slice %arg4[%add3A_194, %dma_start3A_195] : memref<8192x1024xf32, #tpu.memory_space<hbm>> -> memref<4x1024xf32, #tpu.memory_space<hbm>>
      %dma_start3A_197 = arith.constant 0 : i32
      %dma_start3A_198 = tpu.memref_slice %arg4[%add3A_194, %dma_start3A_197] : memref<8192x1024xf32, #tpu.memory_space<hbm>> -> memref<4x1024xf32, #tpu.memory_space<hbm>>
      tpu.enqueue_dma source(%arg6 : memref<4x1024xf32, #tpu.memory_space<vmem>>) target(%dma_start3A_198 : memref<4x1024xf32, #tpu.memory_space<hbm>>) target_semaphore(%arg23 : memref<!tpu.dma_semaphore, #tpu.memory_space<semaphore_mem>>)
      %gt3A_199 = arith.constant 0 : i32
      %gt3A_200 = arith.cmpi sgt, %add3A_119, %gt3A_199 : i32
      %convert_element_type3A_201 = arith.extui %gt3A_200 : i1 to i32
      %cond3A_202 = arith.constant 0 : i32
      %cond3A_203 = arith.cmpi ne, %convert_element_type3A_201, %cond3A_202 : i32
      scf.if %cond3A_203 {
        %dma_wait3A_467 = arith.constant 0 : i32
        %dma_wait3A_468 = arith.constant 0 : i32
        %dma_wait3A_469 = tpu.memref_slice %arg4[%dma_wait3A_467, %dma_wait3A_468] : memref<8192x1024xf32, #tpu.memory_space<hbm>> -> memref<4x1024xf32, #tpu.memory_space<hbm>>
        %dma_wait3A_470 = arith.constant 0 : i32
        %dma_wait3A_471 = arith.constant 0 : i32
        %dma_wait3A_472 = tpu.memref_slice %arg4[%dma_wait3A_470, %dma_wait3A_471] : memref<8192x1024xf32, #tpu.memory_space<hbm>> -> memref<4x1024xf32, #tpu.memory_space<hbm>>
        tpu.wait_dma2 semaphore(%arg27 : memref<!tpu.dma_semaphore, #tpu.memory_space<semaphore_mem>>) src(%arg10 : memref<4x1024xf32, #tpu.memory_space<vmem>>) dst(%dma_wait3A_472 : memref<4x1024xf32, #tpu.memory_space<hbm>>)
      } else {
      }
      %add3A_204 = arith.constant 4 : i32
      %add3A_205 = arith.addi %add3A_171, %add3A_204 : i32
      %shift_right_logical3A_206 = arith.constant 4 : i32
      %shift_right_logical3A_207 = arith.shrui %add3A_205, %shift_right_logical3A_206 : i32
      %and3A_208 = arith.constant 15 : i32
      %and3A_209 = arith.andi %add3A_205, %and3A_208 : i32
      %mul3A_210 = arith.constant 2048 : i32
      %mul3A_211 = arith.muli %shift_right_logical3A_207, %mul3A_210 : i32
      %add3A_212 = arith.addi %mul3A_211, %mul3A_2 : i32
      %mul3A_213 = arith.constant 4 : i32
      %mul3A_214 = arith.muli %and3A_209, %mul3A_213 : i32
      %add3A_215 = arith.addi %add3A_212, %mul3A_214 : i32
      %dma_start3A_216 = arith.constant 0 : i32
      %dma_start3A_217 = tpu.memref_slice %arg2[%add3A_215, %dma_start3A_216] : memref<8192x1024xf32, #tpu.memory_space<hbm>> -> memref<4x1024xf32, #tpu.memory_space<hbm>>
      %dma_start3A_218 = arith.constant 0 : i32
      %dma_start3A_219 = tpu.memref_slice %arg2[%add3A_215, %dma_start3A_218] : memref<8192x1024xf32, #tpu.memory_space<hbm>> -> memref<4x1024xf32, #tpu.memory_space<hbm>>
      tpu.enqueue_dma source(%dma_start3A_219 : memref<4x1024xf32, #tpu.memory_space<hbm>>) target(%arg10 : memref<4x1024xf32, #tpu.memory_space<vmem>>) target_semaphore(%arg19 : memref<!tpu.dma_semaphore, #tpu.memory_space<semaphore_mem>>)
      %mul3A_220 = arith.constant 8 : i32
      %mul3A_221 = arith.muli %add3A_119, %mul3A_220 : i32
      %add3A_222 = arith.constant 2 : i32
      %add3A_223 = arith.addi %mul3A_221, %add3A_222 : i32
      %dma_wait3A_224 = arith.constant 0 : i32
      %dma_wait3A_225 = arith.constant 0 : i32
      %dma_wait3A_226 = tpu.memref_slice %arg2[%dma_wait3A_224, %dma_wait3A_225] : memref<8192x1024xf32, #tpu.memory_space<hbm>> -> memref<4x1024xf32, #tpu.memory_space<hbm>>
      %dma_wait3A_227 = arith.constant 0 : i32
      %dma_wait3A_228 = arith.constant 0 : i32
      %dma_wait3A_229 = tpu.memref_slice %arg2[%dma_wait3A_227, %dma_wait3A_228] : memref<8192x1024xf32, #tpu.memory_space<hbm>> -> memref<4x1024xf32, #tpu.memory_space<hbm>>
      tpu.wait_dma2 semaphore(%arg16 : memref<!tpu.dma_semaphore, #tpu.memory_space<semaphore_mem>>) src(%dma_wait3A_229 : memref<4x1024xf32, #tpu.memory_space<hbm>>) dst(%arg7 : memref<4x1024xf32, #tpu.memory_space<vmem>>)
      %and3A_230 = arith.constant 15 : i32
      %and3A_231 = arith.andi %add3A_223, %and3A_230 : i32
      %mul3A_232 = arith.constant 4 : i32
      %mul3A_233 = arith.muli %and3A_231, %mul3A_232 : i32
      %parallel_loop3A_234 = arith.constant 0 : i32
      %parallel_loop3A_235 = arith.constant 256 : i32
      %parallel_loop3A_236 = arith.constant 1 : i32
      scf.for %parallel_loop3A_467 = %parallel_loop3A_234 to %parallel_loop3A_235 step %parallel_loop3A_236  : i32 {
        %parallel_loop3A_468 = arith.constant 6 : i32
        %parallel_loop3A_469 = arith.shrui %parallel_loop3A_467, %parallel_loop3A_468 : i32
        %parallel_loop3A_470 = arith.constant 63 : i32
        %parallel_loop3A_471 = arith.andi %parallel_loop3A_467, %parallel_loop3A_470 : i32
        %parallel_loop3A_472 = arith.constant 4 : i32
        %parallel_loop3A_473 = arith.shli %parallel_loop3A_471, %parallel_loop3A_472 : i32
        %parallel_loop3A_474 = tpu.assume_multiple %parallel_loop3A_473, 16 : i32
        %parallel_loop3A_475 = arith.addi %mul3A_233, %parallel_loop3A_469 : i32
        %parallel_loop3A_476 = arith.index_cast %parallel_loop3A_475 : i32 to index
        %parallel_loop3A_477 = arith.index_cast %parallel_loop3A_474 : i32 to index
        %parallel_loop3A_478 = tpu.vector_load %arg13[%parallel_loop3A_476, %parallel_loop3A_477] {strides = array<i32>} : memref<64x1024xf32, #tpu.memory_space<vmem>>, vector<1x16xf32>,
        %parallel_loop3A_479 = vector.shape_cast %parallel_loop3A_478 : vector<1x16xf32> to vector<16xf32>
        %parallel_loop3A_480 = arith.index_cast %parallel_loop3A_469 : i32 to index
        %parallel_loop3A_481 = arith.index_cast %parallel_loop3A_474 : i32 to index
        %parallel_loop3A_482 = tpu.vector_load %arg7[%parallel_loop3A_480, %parallel_loop3A_481] {strides = array<i32>} : memref<4x1024xf32, #tpu.memory_space<vmem>>, vector<1x16xf32>,
        %parallel_loop3A_483 = vector.shape_cast %parallel_loop3A_482 : vector<1x16xf32> to vector<16xf32>
        %parallel_loop3A_484 = vector.shape_cast %parallel_loop3A_479 : vector<16xf32> to vector<1x16xf32>
        tpu.vector_store %arg7[%parallel_loop3A_480, %parallel_loop3A_481], %parallel_loop3A_484 {add = true, strides = array<i32>} : memref<4x1024xf32, #tpu.memory_space<vmem>>, vector<1x16xf32>,
      } {sc.loop_unroll_factor = 8 : i64, sc.parallel_access}
      %shift_right_logical3A_237 = arith.constant 4 : i32
      %shift_right_logical3A_238 = arith.shrui %add3A_223, %shift_right_logical3A_237 : i32
      %and3A_239 = arith.constant 15 : i32
      %and3A_240 = arith.andi %add3A_223, %and3A_239 : i32
      %mul3A_241 = arith.constant 2048 : i32
      %mul3A_242 = arith.muli %shift_right_logical3A_238, %mul3A_241 : i32
      %add3A_243 = arith.addi %mul3A_242, %mul3A_2 : i32
      %mul3A_244 = arith.constant 4 : i32
      %mul3A_245 = arith.muli %and3A_240, %mul3A_244 : i32
      %add3A_246 = arith.addi %add3A_243, %mul3A_245 : i32
      %dma_start3A_247 = arith.constant 0 : i32
      %dma_start3A_248 = tpu.memref_slice %arg4[%add3A_246, %dma_start3A_247] : memref<8192x1024xf32, #tpu.memory_space<hbm>> -> memref<4x1024xf32, #tpu.memory_space<hbm>>
      %dma_start3A_249 = arith.constant 0 : i32
      %dma_start3A_250 = tpu.memref_slice %arg4[%add3A_246, %dma_start3A_249] : memref<8192x1024xf32, #tpu.memory_space<hbm>> -> memref<4x1024xf32, #tpu.memory_space<hbm>>
      tpu.enqueue_dma source(%arg7 : memref<4x1024xf32, #tpu.memory_space<vmem>>) target(%dma_start3A_250 : memref<4x1024xf32, #tpu.memory_space<hbm>>) target_semaphore(%arg24 : memref<!tpu.dma_semaphore, #tpu.memory_space<semaphore_mem>>)
      %gt3A_251 = arith.constant 0 : i32
      %gt3A_252 = arith.cmpi sgt, %add3A_119, %gt3A_251 : i32
      %convert_element_type3A_253 = arith.extui %gt3A_252 : i1 to i32
      %cond3A_254 = arith.constant 0 : i32
      %cond3A_255 = arith.cmpi ne, %convert_element_type3A_253, %cond3A_254 : i32
      scf.if %cond3A_255 {
        %dma_wait3A_467 = arith.constant 0 : i32
        %dma_wait3A_468 = arith.constant 0 : i32
        %dma_wait3A_469 = tpu.memref_slice %arg4[%dma_wait3A_467, %dma_wait3A_468] : memref<8192x1024xf32, #tpu.memory_space<hbm>> -> memref<4x1024xf32, #tpu.memory_space<hbm>>
        %dma_wait3A_470 = arith.constant 0 : i32
        %dma_wait3A_471 = arith.constant 0 : i32
        %dma_wait3A_472 = tpu.memref_slice %arg4[%dma_wait3A_470, %dma_wait3A_471] : memref<8192x1024xf32, #tpu.memory_space<hbm>> -> memref<4x1024xf32, #tpu.memory_space<hbm>>
        tpu.wait_dma2 semaphore(%arg28 : memref<!tpu.dma_semaphore, #tpu.memory_space<semaphore_mem>>) src(%arg11 : memref<4x1024xf32, #tpu.memory_space<vmem>>) dst(%dma_wait3A_472 : memref<4x1024xf32, #tpu.memory_space<hbm>>)
      } else {
      }
      %add3A_256 = arith.constant 4 : i32
      %add3A_257 = arith.addi %add3A_223, %add3A_256 : i32
      %shift_right_logical3A_258 = arith.constant 4 : i32
      %shift_right_logical3A_259 = arith.shrui %add3A_257, %shift_right_logical3A_258 : i32
      %and3A_260 = arith.constant 15 : i32
      %and3A_261 = arith.andi %add3A_257, %and3A_260 : i32
      %mul3A_262 = arith.constant 2048 : i32
      %mul3A_263 = arith.muli %shift_right_logical3A_259, %mul3A_262 : i32
      %add3A_264 = arith.addi %mul3A_263, %mul3A_2 : i32
      %mul3A_265 = arith.constant 4 : i32
      %mul3A_266 = arith.muli %and3A_261, %mul3A_265 : i32
      %add3A_267 = arith.addi %add3A_264, %mul3A_266 : i32
      %dma_start3A_268 = arith.constant 0 : i32
      %dma_start3A_269 = tpu.memref_slice %arg2[%add3A_267, %dma_start3A_268] : memref<8192x1024xf32, #tpu.memory_space<hbm>> -> memref<4x1024xf32, #tpu.memory_space<hbm>>
      %dma_start3A_270 = arith.constant 0 : i32
      %dma_start3A_271 = tpu.memref_slice %arg2[%add3A_267, %dma_start3A_270] : memref<8192x1024xf32, #tpu.memory_space<hbm>> -> memref<4x1024xf32, #tpu.memory_space<hbm>>
      tpu.enqueue_dma source(%dma_start3A_271 : memref<4x1024xf32, #tpu.memory_space<hbm>>) target(%arg11 : memref<4x1024xf32, #tpu.memory_space<vmem>>) target_semaphore(%arg20 : memref<!tpu.dma_semaphore, #tpu.memory_space<semaphore_mem>>)
      %mul3A_272 = arith.constant 8 : i32
      %mul3A_273 = arith.muli %add3A_119, %mul3A_272 : i32
      %add3A_274 = arith.constant 3 : i32
      %add3A_275 = arith.addi %mul3A_273, %add3A_274 : i32
      %dma_wait3A_276 = arith.constant 0 : i32
      %dma_wait3A_277 = arith.constant 0 : i32
      %dma_wait3A_278 = tpu.memref_slice %arg2[%dma_wait3A_276, %dma_wait3A_277] : memref<8192x1024xf32, #tpu.memory_space<hbm>> -> memref<4x1024xf32, #tpu.memory_space<hbm>>
      %dma_wait3A_279 = arith.constant 0 : i32
      %dma_wait3A_280 = arith.constant 0 : i32
      %dma_wait3A_281 = tpu.memref_slice %arg2[%dma_wait3A_279, %dma_wait3A_280] : memref<8192x1024xf32, #tpu.memory_space<hbm>> -> memref<4x1024xf32, #tpu.memory_space<hbm>>
      tpu.wait_dma2 semaphore(%arg17 : memref<!tpu.dma_semaphore, #tpu.memory_space<semaphore_mem>>) src(%dma_wait3A_281 : memref<4x1024xf32, #tpu.memory_space<hbm>>) dst(%arg8 : memref<4x1024xf32, #tpu.memory_space<vmem>>)
      %and3A_282 = arith.constant 15 : i32
      %and3A_283 = arith.andi %add3A_275, %and3A_282 : i32
      %mul3A_284 = arith.constant 4 : i32
      %mul3A_285 = arith.muli %and3A_283, %mul3A_284 : i32
      %parallel_loop3A_286 = arith.constant 0 : i32
      %parallel_loop3A_287 = arith.constant 256 : i32
      %parallel_loop3A_288 = arith.constant 1 : i32
      scf.for %parallel_loop3A_467 = %parallel_loop3A_286 to %parallel_loop3A_287 step %parallel_loop3A_288  : i32 {
        %parallel_loop3A_468 = arith.constant 6 : i32
        %parallel_loop3A_469 = arith.shrui %parallel_loop3A_467, %parallel_loop3A_468 : i32
        %parallel_loop3A_470 = arith.constant 63 : i32
        %parallel_loop3A_471 = arith.andi %parallel_loop3A_467, %parallel_loop3A_470 : i32
        %parallel_loop3A_472 = arith.constant 4 : i32
        %parallel_loop3A_473 = arith.shli %parallel_loop3A_471, %parallel_loop3A_472 : i32
        %parallel_loop3A_474 = tpu.assume_multiple %parallel_loop3A_473, 16 : i32
        %parallel_loop3A_475 = arith.addi %mul3A_285, %parallel_loop3A_469 : i32
        %parallel_loop3A_476 = arith.index_cast %parallel_loop3A_475 : i32 to index
        %parallel_loop3A_477 = arith.index_cast %parallel_loop3A_474 : i32 to index
        %parallel_loop3A_478 = tpu.vector_load %arg13[%parallel_loop3A_476, %parallel_loop3A_477] {strides = array<i32>} : memref<64x1024xf32, #tpu.memory_space<vmem>>, vector<1x16xf32>,
        %parallel_loop3A_479 = vector.shape_cast %parallel_loop3A_478 : vector<1x16xf32> to vector<16xf32>
        %parallel_loop3A_480 = arith.index_cast %parallel_loop3A_469 : i32 to index
        %parallel_loop3A_481 = arith.index_cast %parallel_loop3A_474 : i32 to index
        %parallel_loop3A_482 = tpu.vector_load %arg8[%parallel_loop3A_480, %parallel_loop3A_481] {strides = array<i32>} : memref<4x1024xf32, #tpu.memory_space<vmem>>, vector<1x16xf32>,
        %parallel_loop3A_483 = vector.shape_cast %parallel_loop3A_482 : vector<1x16xf32> to vector<16xf32>
        %parallel_loop3A_484 = vector.shape_cast %parallel_loop3A_479 : vector<16xf32> to vector<1x16xf32>
        tpu.vector_store %arg8[%parallel_loop3A_480, %parallel_loop3A_481], %parallel_loop3A_484 {add = true, strides = array<i32>} : memref<4x1024xf32, #tpu.memory_space<vmem>>, vector<1x16xf32>,
      } {sc.loop_unroll_factor = 8 : i64, sc.parallel_access}
      %shift_right_logical3A_289 = arith.constant 4 : i32
      %shift_right_logical3A_290 = arith.shrui %add3A_275, %shift_right_logical3A_289 : i32
      %and3A_291 = arith.constant 15 : i32
      %and3A_292 = arith.andi %add3A_275, %and3A_291 : i32
      %mul3A_293 = arith.constant 2048 : i32
      %mul3A_294 = arith.muli %shift_right_logical3A_290, %mul3A_293 : i32
      %add3A_295 = arith.addi %mul3A_294, %mul3A_2 : i32
      %mul3A_296 = arith.constant 4 : i32
      %mul3A_297 = arith.muli %and3A_292, %mul3A_296 : i32
      %add3A_298 = arith.addi %add3A_295, %mul3A_297 : i32
      %dma_start3A_299 = arith.constant 0 : i32
      %dma_start3A_300 = tpu.memref_slice %arg4[%add3A_298, %dma_start3A_299] : memref<8192x1024xf32, #tpu.memory_space<hbm>> -> memref<4x1024xf32, #tpu.memory_space<hbm>>
      %dma_start3A_301 = arith.constant 0 : i32
      %dma_start3A_302 = tpu.memref_slice %arg4[%add3A_298, %dma_start3A_301] : memref<8192x1024xf32, #tpu.memory_space<hbm>> -> memref<4x1024xf32, #tpu.memory_space<hbm>>
      tpu.enqueue_dma source(%arg8 : memref<4x1024xf32, #tpu.memory_space<vmem>>) target(%dma_start3A_302 : memref<4x1024xf32, #tpu.memory_space<hbm>>) target_semaphore(%arg25 : memref<!tpu.dma_semaphore, #tpu.memory_space<semaphore_mem>>)
      %gt3A_303 = arith.constant 0 : i32
      %gt3A_304 = arith.cmpi sgt, %add3A_119, %gt3A_303 : i32
      %convert_element_type3A_305 = arith.extui %gt3A_304 : i1 to i32
      %cond3A_306 = arith.constant 0 : i32
      %cond3A_307 = arith.cmpi ne, %convert_element_type3A_305, %cond3A_306 : i32
      scf.if %cond3A_307 {
        %dma_wait3A_467 = arith.constant 0 : i32
        %dma_wait3A_468 = arith.constant 0 : i32
        %dma_wait3A_469 = tpu.memref_slice %arg4[%dma_wait3A_467, %dma_wait3A_468] : memref<8192x1024xf32, #tpu.memory_space<hbm>> -> memref<4x1024xf32, #tpu.memory_space<hbm>>
        %dma_wait3A_470 = arith.constant 0 : i32
        %dma_wait3A_471 = arith.constant 0 : i32
        %dma_wait3A_472 = tpu.memref_slice %arg4[%dma_wait3A_470, %dma_wait3A_471] : memref<8192x1024xf32, #tpu.memory_space<hbm>> -> memref<4x1024xf32, #tpu.memory_space<hbm>>
        tpu.wait_dma2 semaphore(%arg29 : memref<!tpu.dma_semaphore, #tpu.memory_space<semaphore_mem>>) src(%arg12 : memref<4x1024xf32, #tpu.memory_space<vmem>>) dst(%dma_wait3A_472 : memref<4x1024xf32, #tpu.memory_space<hbm>>)
      } else {
      }
      %add3A_308 = arith.constant 4 : i32
      %add3A_309 = arith.addi %add3A_275, %add3A_308 : i32
      %shift_right_logical3A_310 = arith.constant 4 : i32
      %shift_right_logical3A_311 = arith.shrui %add3A_309, %shift_right_logical3A_310 : i32
      %and3A_312 = arith.constant 15 : i32
      %and3A_313 = arith.andi %add3A_309, %and3A_312 : i32
      %mul3A_314 = arith.constant 2048 : i32
      %mul3A_315 = arith.muli %shift_right_logical3A_311, %mul3A_314 : i32
      %add3A_316 = arith.addi %mul3A_315, %mul3A_2 : i32
      %mul3A_317 = arith.constant 4 : i32
      %mul3A_318 = arith.muli %and3A_313, %mul3A_317 : i32
      %add3A_319 = arith.addi %add3A_316, %mul3A_318 : i32
      %dma_start3A_320 = arith.constant 0 : i32
      %dma_start3A_321 = tpu.memref_slice %arg2[%add3A_319, %dma_start3A_320] : memref<8192x1024xf32, #tpu.memory_space<hbm>> -> memref<4x1024xf32, #tpu.memory_space<hbm>>
      %dma_start3A_322 = arith.constant 0 : i32
      %dma_start3A_323 = tpu.memref_slice %arg2[%add3A_319, %dma_start3A_322] : memref<8192x1024xf32, #tpu.memory_space<hbm>> -> memref<4x1024xf32, #tpu.memory_space<hbm>>
      tpu.enqueue_dma source(%dma_start3A_323 : memref<4x1024xf32, #tpu.memory_space<hbm>>) target(%arg12 : memref<4x1024xf32, #tpu.memory_space<vmem>>) target_semaphore(%arg21 : memref<!tpu.dma_semaphore, #tpu.memory_space<semaphore_mem>>)
      %mul3A_324 = arith.constant 8 : i32
      %mul3A_325 = arith.muli %add3A_119, %mul3A_324 : i32
      %add3A_326 = arith.constant 4 : i32
      %add3A_327 = arith.addi %mul3A_325, %add3A_326 : i32
      %dma_wait3A_328 = arith.constant 0 : i32
      %dma_wait3A_329 = arith.constant 0 : i32
      %dma_wait3A_330 = tpu.memref_slice %arg2[%dma_wait3A_328, %dma_wait3A_329] : memref<8192x1024xf32, #tpu.memory_space<hbm>> -> memref<4x1024xf32, #tpu.memory_space<hbm>>
      %dma_wait3A_331 = arith.constant 0 : i32
      %dma_wait3A_332 = arith.constant 0 : i32
      %dma_wait3A_333 = tpu.memref_slice %arg2[%dma_wait3A_331, %dma_wait3A_332] : memref<8192x1024xf32, #tpu.memory_space<hbm>> -> memref<4x1024xf32, #tpu.memory_space<hbm>>
      tpu.wait_dma2 semaphore(%arg18 : memref<!tpu.dma_semaphore, #tpu.memory_space<semaphore_mem>>) src(%dma_wait3A_333 : memref<4x1024xf32, #tpu.memory_space<hbm>>) dst(%arg9 : memref<4x1024xf32, #tpu.memory_space<vmem>>)
      %and3A_334 = arith.constant 15 : i32
      %and3A_335 = arith.andi %add3A_327, %and3A_334 : i32
      %mul3A_336 = arith.constant 4 : i32
      %mul3A_337 = arith.muli %and3A_335, %mul3A_336 : i32
      %parallel_loop3A_338 = arith.constant 0 : i32
      %parallel_loop3A_339 = arith.constant 256 : i32
      %parallel_loop3A_340 = arith.constant 1 : i32
      scf.for %parallel_loop3A_467 = %parallel_loop3A_338 to %parallel_loop3A_339 step %parallel_loop3A_340  : i32 {
        %parallel_loop3A_468 = arith.constant 6 : i32
        %parallel_loop3A_469 = arith.shrui %parallel_loop3A_467, %parallel_loop3A_468 : i32
        %parallel_loop3A_470 = arith.constant 63 : i32
        %parallel_loop3A_471 = arith.andi %parallel_loop3A_467, %parallel_loop3A_470 : i32
        %parallel_loop3A_472 = arith.constant 4 : i32
        %parallel_loop3A_473 = arith.shli %parallel_loop3A_471, %parallel_loop3A_472 : i32
        %parallel_loop3A_474 = tpu.assume_multiple %parallel_loop3A_473, 16 : i32
        %parallel_loop3A_475 = arith.addi %mul3A_337, %parallel_loop3A_469 : i32
        %parallel_loop3A_476 = arith.index_cast %parallel_loop3A_475 : i32 to index
        %parallel_loop3A_477 = arith.index_cast %parallel_loop3A_474 : i32 to index
        %parallel_loop3A_478 = tpu.vector_load %arg13[%parallel_loop3A_476, %parallel_loop3A_477] {strides = array<i32>} : memref<64x1024xf32, #tpu.memory_space<vmem>>, vector<1x16xf32>,
        %parallel_loop3A_479 = vector.shape_cast %parallel_loop3A_478 : vector<1x16xf32> to vector<16xf32>
        %parallel_loop3A_480 = arith.index_cast %parallel_loop3A_469 : i32 to index
        %parallel_loop3A_481 = arith.index_cast %parallel_loop3A_474 : i32 to index
        %parallel_loop3A_482 = tpu.vector_load %arg9[%parallel_loop3A_480, %parallel_loop3A_481] {strides = array<i32>} : memref<4x1024xf32, #tpu.memory_space<vmem>>, vector<1x16xf32>,
        %parallel_loop3A_483 = vector.shape_cast %parallel_loop3A_482 : vector<1x16xf32> to vector<16xf32>
        %parallel_loop3A_484 = vector.shape_cast %parallel_loop3A_479 : vector<16xf32> to vector<1x16xf32>
        tpu.vector_store %arg9[%parallel_loop3A_480, %parallel_loop3A_481], %parallel_loop3A_484 {add = true, strides = array<i32>} : memref<4x1024xf32, #tpu.memory_space<vmem>>, vector<1x16xf32>,
      } {sc.loop_unroll_factor = 8 : i64, sc.parallel_access}
      %shift_right_logical3A_341 = arith.constant 4 : i32
      %shift_right_logical3A_342 = arith.shrui %add3A_327, %shift_right_logical3A_341 : i32
      %and3A_343 = arith.constant 15 : i32
      %and3A_344 = arith.andi %add3A_327, %and3A_343 : i32
      %mul3A_345 = arith.constant 2048 : i32
      %mul3A_346 = arith.muli %shift_right_logical3A_342, %mul3A_345 : i32
      %add3A_347 = arith.addi %mul3A_346, %mul3A_2 : i32
      %mul3A_348 = arith.constant 4 : i32
      %mul3A_349 = arith.muli %and3A_344, %mul3A_348 : i32
      %add3A_350 = arith.addi %add3A_347, %mul3A_349 : i32
      %dma_start3A_351 = arith.constant 0 : i32
      %dma_start3A_352 = tpu.memref_slice %arg4[%add3A_350, %dma_start3A_351] : memref<8192x1024xf32, #tpu.memory_space<hbm>> -> memref<4x1024xf32, #tpu.memory_space<hbm>>
      %dma_start3A_353 = arith.constant 0 : i32
      %dma_start3A_354 = tpu.memref_slice %arg4[%add3A_350, %dma_start3A_353] : memref<8192x1024xf32, #tpu.memory_space<hbm>> -> memref<4x1024xf32, #tpu.memory_space<hbm>>
      tpu.enqueue_dma source(%arg9 : memref<4x1024xf32, #tpu.memory_space<vmem>>) target(%dma_start3A_354 : memref<4x1024xf32, #tpu.memory_space<hbm>>) target_semaphore(%arg26 : memref<!tpu.dma_semaphore, #tpu.memory_space<semaphore_mem>>)
      %lt3A = arith.constant 7 : i32
      %lt3A_355 = arith.cmpi slt, %add3A_119, %lt3A : i32
      %convert_element_type3A_356 = arith.extui %lt3A_355 : i1 to i32
      %cond3A_357 = arith.constant 0 : i32
      %cond3A_358 = arith.cmpi ne, %convert_element_type3A_356, %cond3A_357 : i32
      scf.if %cond3A_358 {
        %dma_wait3A_467 = arith.constant 0 : i32
        %dma_wait3A_468 = arith.constant 0 : i32
        %dma_wait3A_469 = tpu.memref_slice %arg4[%dma_wait3A_467, %dma_wait3A_468] : memref<8192x1024xf32, #tpu.memory_space<hbm>> -> memref<4x1024xf32, #tpu.memory_space<hbm>>
        %dma_wait3A_470 = arith.constant 0 : i32
        %dma_wait3A_471 = arith.constant 0 : i32
        %dma_wait3A_472 = tpu.memref_slice %arg4[%dma_wait3A_470, %dma_wait3A_471] : memref<8192x1024xf32, #tpu.memory_space<hbm>> -> memref<4x1024xf32, #tpu.memory_space<hbm>>
        tpu.wait_dma2 semaphore(%arg22 : memref<!tpu.dma_semaphore, #tpu.memory_space<semaphore_mem>>) src(%arg5 : memref<4x1024xf32, #tpu.memory_space<vmem>>) dst(%dma_wait3A_472 : memref<4x1024xf32, #tpu.memory_space<hbm>>)
        %add3A_473 = arith.constant 4 : i32
        %add3A_474 = arith.addi %add3A_327, %add3A_473 : i32
        %shift_right_logical3A_475 = arith.constant 4 : i32
        %shift_right_logical3A_476 = arith.shrui %add3A_474, %shift_right_logical3A_475 : i32
        %and3A_477 = arith.constant 15 : i32
        %and3A_478 = arith.andi %add3A_474, %and3A_477 : i32
        %mul3A_479 = arith.constant 2048 : i32
        %mul3A_480 = arith.muli %shift_right_logical3A_476, %mul3A_479 : i32
        %add3A_481 = arith.addi %mul3A_480, %mul3A_2 : i32
        %mul3A_482 = arith.constant 4 : i32
        %mul3A_483 = arith.muli %and3A_478, %mul3A_482 : i32
        %add3A_484 = arith.addi %add3A_481, %mul3A_483 : i32
        %dma_start3A_485 = arith.constant 0 : i32
        %dma_start3A_486 = tpu.memref_slice %arg2[%add3A_484, %dma_start3A_485] : memref<8192x1024xf32, #tpu.memory_space<hbm>> -> memref<4x1024xf32, #tpu.memory_space<hbm>>
        %dma_start3A_487 = arith.constant 0 : i32
        %dma_start3A_488 = tpu.memref_slice %arg2[%add3A_484, %dma_start3A_487] : memref<8192x1024xf32, #tpu.memory_space<hbm>> -> memref<4x1024xf32, #tpu.memory_space<hbm>>
        tpu.enqueue_dma source(%dma_start3A_488 : memref<4x1024xf32, #tpu.memory_space<hbm>>) target(%arg5 : memref<4x1024xf32, #tpu.memory_space<vmem>>) target_semaphore(%arg14 : memref<!tpu.dma_semaphore, #tpu.memory_space<semaphore_mem>>)
      } else {
      }
      %mul3A_359 = arith.constant 8 : i32
      %mul3A_360 = arith.muli %add3A_119, %mul3A_359 : i32
      %add3A_361 = arith.constant 5 : i32
      %add3A_362 = arith.addi %mul3A_360, %add3A_361 : i32
      %dma_wait3A_363 = arith.constant 0 : i32
      %dma_wait3A_364 = arith.constant 0 : i32
      %dma_wait3A_365 = tpu.memref_slice %arg2[%dma_wait3A_363, %dma_wait3A_364] : memref<8192x1024xf32, #tpu.memory_space<hbm>> -> memref<4x1024xf32, #tpu.memory_space<hbm>>
      %dma_wait3A_366 = arith.constant 0 : i32
      %dma_wait3A_367 = arith.constant 0 : i32
      %dma_wait3A_368 = tpu.memref_slice %arg2[%dma_wait3A_366, %dma_wait3A_367] : memref<8192x1024xf32, #tpu.memory_space<hbm>> -> memref<4x1024xf32, #tpu.memory_space<hbm>>
      tpu.wait_dma2 semaphore(%arg19 : memref<!tpu.dma_semaphore, #tpu.memory_space<semaphore_mem>>) src(%dma_wait3A_368 : memref<4x1024xf32, #tpu.memory_space<hbm>>) dst(%arg10 : memref<4x1024xf32, #tpu.memory_space<vmem>>)
      %and3A_369 = arith.constant 15 : i32
      %and3A_370 = arith.andi %add3A_362, %and3A_369 : i32
      %mul3A_371 = arith.constant 4 : i32
      %mul3A_372 = arith.muli %and3A_370, %mul3A_371 : i32
      %parallel_loop3A_373 = arith.constant 0 : i32
      %parallel_loop3A_374 = arith.constant 256 : i32
      %parallel_loop3A_375 = arith.constant 1 : i32
      scf.for %parallel_loop3A_467 = %parallel_loop3A_373 to %parallel_loop3A_374 step %parallel_loop3A_375  : i32 {
        %parallel_loop3A_468 = arith.constant 6 : i32
        %parallel_loop3A_469 = arith.shrui %parallel_loop3A_467, %parallel_loop3A_468 : i32
        %parallel_loop3A_470 = arith.constant 63 : i32
        %parallel_loop3A_471 = arith.andi %parallel_loop3A_467, %parallel_loop3A_470 : i32
        %parallel_loop3A_472 = arith.constant 4 : i32
        %parallel_loop3A_473 = arith.shli %parallel_loop3A_471, %parallel_loop3A_472 : i32
        %parallel_loop3A_474 = tpu.assume_multiple %parallel_loop3A_473, 16 : i32
        %parallel_loop3A_475 = arith.addi %mul3A_372, %parallel_loop3A_469 : i32
        %parallel_loop3A_476 = arith.index_cast %parallel_loop3A_475 : i32 to index
        %parallel_loop3A_477 = arith.index_cast %parallel_loop3A_474 : i32 to index
        %parallel_loop3A_478 = tpu.vector_load %arg13[%parallel_loop3A_476, %parallel_loop3A_477] {strides = array<i32>} : memref<64x1024xf32, #tpu.memory_space<vmem>>, vector<1x16xf32>,
        %parallel_loop3A_479 = vector.shape_cast %parallel_loop3A_478 : vector<1x16xf32> to vector<16xf32>
        %parallel_loop3A_480 = arith.index_cast %parallel_loop3A_469 : i32 to index
        %parallel_loop3A_481 = arith.index_cast %parallel_loop3A_474 : i32 to index
        %parallel_loop3A_482 = tpu.vector_load %arg10[%parallel_loop3A_480, %parallel_loop3A_481] {strides = array<i32>} : memref<4x1024xf32, #tpu.memory_space<vmem>>, vector<1x16xf32>,
        %parallel_loop3A_483 = vector.shape_cast %parallel_loop3A_482 : vector<1x16xf32> to vector<16xf32>
        %parallel_loop3A_484 = vector.shape_cast %parallel_loop3A_479 : vector<16xf32> to vector<1x16xf32>
        tpu.vector_store %arg10[%parallel_loop3A_480, %parallel_loop3A_481], %parallel_loop3A_484 {add = true, strides = array<i32>} : memref<4x1024xf32, #tpu.memory_space<vmem>>, vector<1x16xf32>,
      } {sc.loop_unroll_factor = 8 : i64, sc.parallel_access}
      %shift_right_logical3A_376 = arith.constant 4 : i32
      %shift_right_logical3A_377 = arith.shrui %add3A_362, %shift_right_logical3A_376 : i32
      %and3A_378 = arith.constant 15 : i32
      %and3A_379 = arith.andi %add3A_362, %and3A_378 : i32
      %mul3A_380 = arith.constant 2048 : i32
      %mul3A_381 = arith.muli %shift_right_logical3A_377, %mul3A_380 : i32
      %add3A_382 = arith.addi %mul3A_381, %mul3A_2 : i32
      %mul3A_383 = arith.constant 4 : i32
      %mul3A_384 = arith.muli %and3A_379, %mul3A_383 : i32
      %add3A_385 = arith.addi %add3A_382, %mul3A_384 : i32
      %dma_start3A_386 = arith.constant 0 : i32
      %dma_start3A_387 = tpu.memref_slice %arg4[%add3A_385, %dma_start3A_386] : memref<8192x1024xf32, #tpu.memory_space<hbm>> -> memref<4x1024xf32, #tpu.memory_space<hbm>>
      %dma_start3A_388 = arith.constant 0 : i32
      %dma_start3A_389 = tpu.memref_slice %arg4[%add3A_385, %dma_start3A_388] : memref<8192x1024xf32, #tpu.memory_space<hbm>> -> memref<4x1024xf32, #tpu.memory_space<hbm>>
      tpu.enqueue_dma source(%arg10 : memref<4x1024xf32, #tpu.memory_space<vmem>>) target(%dma_start3A_389 : memref<4x1024xf32, #tpu.memory_space<hbm>>) target_semaphore(%arg27 : memref<!tpu.dma_semaphore, #tpu.memory_space<semaphore_mem>>)
      %lt3A_390 = arith.constant 7 : i32
      %lt3A_391 = arith.cmpi slt, %add3A_119, %lt3A_390 : i32
      %convert_element_type3A_392 = arith.extui %lt3A_391 : i1 to i32
      %cond3A_393 = arith.constant 0 : i32
      %cond3A_394 = arith.cmpi ne, %convert_element_type3A_392, %cond3A_393 : i32
      scf.if %cond3A_394 {
        %dma_wait3A_467 = arith.constant 0 : i32
        %dma_wait3A_468 = arith.constant 0 : i32
        %dma_wait3A_469 = tpu.memref_slice %arg4[%dma_wait3A_467, %dma_wait3A_468] : memref<8192x1024xf32, #tpu.memory_space<hbm>> -> memref<4x1024xf32, #tpu.memory_space<hbm>>
        %dma_wait3A_470 = arith.constant 0 : i32
        %dma_wait3A_471 = arith.constant 0 : i32
        %dma_wait3A_472 = tpu.memref_slice %arg4[%dma_wait3A_470, %dma_wait3A_471] : memref<8192x1024xf32, #tpu.memory_space<hbm>> -> memref<4x1024xf32, #tpu.memory_space<hbm>>
        tpu.wait_dma2 semaphore(%arg23 : memref<!tpu.dma_semaphore, #tpu.memory_space<semaphore_mem>>) src(%arg6 : memref<4x1024xf32, #tpu.memory_space<vmem>>) dst(%dma_wait3A_472 : memref<4x1024xf32, #tpu.memory_space<hbm>>)
        %add3A_473 = arith.constant 4 : i32
        %add3A_474 = arith.addi %add3A_362, %add3A_473 : i32
        %shift_right_logical3A_475 = arith.constant 4 : i32
        %shift_right_logical3A_476 = arith.shrui %add3A_474, %shift_right_logical3A_475 : i32
        %and3A_477 = arith.constant 15 : i32
        %and3A_478 = arith.andi %add3A_474, %and3A_477 : i32
        %mul3A_479 = arith.constant 2048 : i32
        %mul3A_480 = arith.muli %shift_right_logical3A_476, %mul3A_479 : i32
        %add3A_481 = arith.addi %mul3A_480, %mul3A_2 : i32
        %mul3A_482 = arith.constant 4 : i32
        %mul3A_483 = arith.muli %and3A_478, %mul3A_482 : i32
        %add3A_484 = arith.addi %add3A_481, %mul3A_483 : i32
        %dma_start3A_485 = arith.constant 0 : i32
        %dma_start3A_486 = tpu.memref_slice %arg2[%add3A_484, %dma_start3A_485] : memref<8192x1024xf32, #tpu.memory_space<hbm>> -> memref<4x1024xf32, #tpu.memory_space<hbm>>
        %dma_start3A_487 = arith.constant 0 : i32
        %dma_start3A_488 = tpu.memref_slice %arg2[%add3A_484, %dma_start3A_487] : memref<8192x1024xf32, #tpu.memory_space<hbm>> -> memref<4x1024xf32, #tpu.memory_space<hbm>>
        tpu.enqueue_dma source(%dma_start3A_488 : memref<4x1024xf32, #tpu.memory_space<hbm>>) target(%arg6 : memref<4x1024xf32, #tpu.memory_space<vmem>>) target_semaphore(%arg15 : memref<!tpu.dma_semaphore, #tpu.memory_space<semaphore_mem>>)
      } else {
      }
      %mul3A_395 = arith.constant 8 : i32
      %mul3A_396 = arith.muli %add3A_119, %mul3A_395 : i32
      %add3A_397 = arith.constant 6 : i32
      %add3A_398 = arith.addi %mul3A_396, %add3A_397 : i32
      %dma_wait3A_399 = arith.constant 0 : i32
      %dma_wait3A_400 = arith.constant 0 : i32
      %dma_wait3A_401 = tpu.memref_slice %arg2[%dma_wait3A_399, %dma_wait3A_400] : memref<8192x1024xf32, #tpu.memory_space<hbm>> -> memref<4x1024xf32, #tpu.memory_space<hbm>>
      %dma_wait3A_402 = arith.constant 0 : i32
      %dma_wait3A_403 = arith.constant 0 : i32
      %dma_wait3A_404 = tpu.memref_slice %arg2[%dma_wait3A_402, %dma_wait3A_403] : memref<8192x1024xf32, #tpu.memory_space<hbm>> -> memref<4x1024xf32, #tpu.memory_space<hbm>>
      tpu.wait_dma2 semaphore(%arg20 : memref<!tpu.dma_semaphore, #tpu.memory_space<semaphore_mem>>) src(%dma_wait3A_404 : memref<4x1024xf32, #tpu.memory_space<hbm>>) dst(%arg11 : memref<4x1024xf32, #tpu.memory_space<vmem>>)
      %and3A_405 = arith.constant 15 : i32
      %and3A_406 = arith.andi %add3A_398, %and3A_405 : i32
      %mul3A_407 = arith.constant 4 : i32
      %mul3A_408 = arith.muli %and3A_406, %mul3A_407 : i32
      %parallel_loop3A_409 = arith.constant 0 : i32
      %parallel_loop3A_410 = arith.constant 256 : i32
      %parallel_loop3A_411 = arith.constant 1 : i32
      scf.for %parallel_loop3A_467 = %parallel_loop3A_409 to %parallel_loop3A_410 step %parallel_loop3A_411  : i32 {
        %parallel_loop3A_468 = arith.constant 6 : i32
        %parallel_loop3A_469 = arith.shrui %parallel_loop3A_467, %parallel_loop3A_468 : i32
        %parallel_loop3A_470 = arith.constant 63 : i32
        %parallel_loop3A_471 = arith.andi %parallel_loop3A_467, %parallel_loop3A_470 : i32
        %parallel_loop3A_472 = arith.constant 4 : i32
        %parallel_loop3A_473 = arith.shli %parallel_loop3A_471, %parallel_loop3A_472 : i32
        %parallel_loop3A_474 = tpu.assume_multiple %parallel_loop3A_473, 16 : i32
        %parallel_loop3A_475 = arith.addi %mul3A_408, %parallel_loop3A_469 : i32
        %parallel_loop3A_476 = arith.index_cast %parallel_loop3A_475 : i32 to index
        %parallel_loop3A_477 = arith.index_cast %parallel_loop3A_474 : i32 to index
        %parallel_loop3A_478 = tpu.vector_load %arg13[%parallel_loop3A_476, %parallel_loop3A_477] {strides = array<i32>} : memref<64x1024xf32, #tpu.memory_space<vmem>>, vector<1x16xf32>,
        %parallel_loop3A_479 = vector.shape_cast %parallel_loop3A_478 : vector<1x16xf32> to vector<16xf32>
        %parallel_loop3A_480 = arith.index_cast %parallel_loop3A_469 : i32 to index
        %parallel_loop3A_481 = arith.index_cast %parallel_loop3A_474 : i32 to index
        %parallel_loop3A_482 = tpu.vector_load %arg11[%parallel_loop3A_480, %parallel_loop3A_481] {strides = array<i32>} : memref<4x1024xf32, #tpu.memory_space<vmem>>, vector<1x16xf32>,
        %parallel_loop3A_483 = vector.shape_cast %parallel_loop3A_482 : vector<1x16xf32> to vector<16xf32>
        %parallel_loop3A_484 = vector.shape_cast %parallel_loop3A_479 : vector<16xf32> to vector<1x16xf32>
        tpu.vector_store %arg11[%parallel_loop3A_480, %parallel_loop3A_481], %parallel_loop3A_484 {add = true, strides = array<i32>} : memref<4x1024xf32, #tpu.memory_space<vmem>>, vector<1x16xf32>,
      } {sc.loop_unroll_factor = 8 : i64, sc.parallel_access}
      %shift_right_logical3A_412 = arith.constant 4 : i32
      %shift_right_logical3A_413 = arith.shrui %add3A_398, %shift_right_logical3A_412 : i32
      %and3A_414 = arith.constant 15 : i32
      %and3A_415 = arith.andi %add3A_398, %and3A_414 : i32
      %mul3A_416 = arith.constant 2048 : i32
      %mul3A_417 = arith.muli %shift_right_logical3A_413, %mul3A_416 : i32
      %add3A_418 = arith.addi %mul3A_417, %mul3A_2 : i32
      %mul3A_419 = arith.constant 4 : i32
      %mul3A_420 = arith.muli %and3A_415, %mul3A_419 : i32
      %add3A_421 = arith.addi %add3A_418, %mul3A_420 : i32
      %dma_start3A_422 = arith.constant 0 : i32
      %dma_start3A_423 = tpu.memref_slice %arg4[%add3A_421, %dma_start3A_422] : memref<8192x1024xf32, #tpu.memory_space<hbm>> -> memref<4x1024xf32, #tpu.memory_space<hbm>>
      %dma_start3A_424 = arith.constant 0 : i32
      %dma_start3A_425 = tpu.memref_slice %arg4[%add3A_421, %dma_start3A_424] : memref<8192x1024xf32, #tpu.memory_space<hbm>> -> memref<4x1024xf32, #tpu.memory_space<hbm>>
      tpu.enqueue_dma source(%arg11 : memref<4x1024xf32, #tpu.memory_space<vmem>>) target(%dma_start3A_425 : memref<4x1024xf32, #tpu.memory_space<hbm>>) target_semaphore(%arg28 : memref<!tpu.dma_semaphore, #tpu.memory_space<semaphore_mem>>)
      %lt3A_426 = arith.constant 7 : i32
      %lt3A_427 = arith.cmpi slt, %add3A_119, %lt3A_426 : i32
      %convert_element_type3A_428 = arith.extui %lt3A_427 : i1 to i32
      %cond3A_429 = arith.constant 0 : i32
      %cond3A_430 = arith.cmpi ne, %convert_element_type3A_428, %cond3A_429 : i32
      scf.if %cond3A_430 {
        %dma_wait3A_467 = arith.constant 0 : i32
        %dma_wait3A_468 = arith.constant 0 : i32
        %dma_wait3A_469 = tpu.memref_slice %arg4[%dma_wait3A_467, %dma_wait3A_468] : memref<8192x1024xf32, #tpu.memory_space<hbm>> -> memref<4x1024xf32, #tpu.memory_space<hbm>>
        %dma_wait3A_470 = arith.constant 0 : i32
        %dma_wait3A_471 = arith.constant 0 : i32
        %dma_wait3A_472 = tpu.memref_slice %arg4[%dma_wait3A_470, %dma_wait3A_471] : memref<8192x1024xf32, #tpu.memory_space<hbm>> -> memref<4x1024xf32, #tpu.memory_space<hbm>>
        tpu.wait_dma2 semaphore(%arg24 : memref<!tpu.dma_semaphore, #tpu.memory_space<semaphore_mem>>) src(%arg7 : memref<4x1024xf32, #tpu.memory_space<vmem>>) dst(%dma_wait3A_472 : memref<4x1024xf32, #tpu.memory_space<hbm>>)
        %add3A_473 = arith.constant 4 : i32
        %add3A_474 = arith.addi %add3A_398, %add3A_473 : i32
        %shift_right_logical3A_475 = arith.constant 4 : i32
        %shift_right_logical3A_476 = arith.shrui %add3A_474, %shift_right_logical3A_475 : i32
        %and3A_477 = arith.constant 15 : i32
        %and3A_478 = arith.andi %add3A_474, %and3A_477 : i32
        %mul3A_479 = arith.constant 2048 : i32
        %mul3A_480 = arith.muli %shift_right_logical3A_476, %mul3A_479 : i32
        %add3A_481 = arith.addi %mul3A_480, %mul3A_2 : i32
        %mul3A_482 = arith.constant 4 : i32
        %mul3A_483 = arith.muli %and3A_478, %mul3A_482 : i32
        %add3A_484 = arith.addi %add3A_481, %mul3A_483 : i32
        %dma_start3A_485 = arith.constant 0 : i32
        %dma_start3A_486 = tpu.memref_slice %arg2[%add3A_484, %dma_start3A_485] : memref<8192x1024xf32, #tpu.memory_space<hbm>> -> memref<4x1024xf32, #tpu.memory_space<hbm>>
        %dma_start3A_487 = arith.constant 0 : i32
        %dma_start3A_488 = tpu.memref_slice %arg2[%add3A_484, %dma_start3A_487] : memref<8192x1024xf32, #tpu.memory_space<hbm>> -> memref<4x1024xf32, #tpu.memory_space<hbm>>
        tpu.enqueue_dma source(%dma_start3A_488 : memref<4x1024xf32, #tpu.memory_space<hbm>>) target(%arg7 : memref<4x1024xf32, #tpu.memory_space<vmem>>) target_semaphore(%arg16 : memref<!tpu.dma_semaphore, #tpu.memory_space<semaphore_mem>>)
      } else {
      }
      %mul3A_431 = arith.constant 8 : i32
      %mul3A_432 = arith.muli %add3A_119, %mul3A_431 : i32
      %add3A_433 = arith.constant 7 : i32
      %add3A_434 = arith.addi %mul3A_432, %add3A_433 : i32
      %dma_wait3A_435 = arith.constant 0 : i32
      %dma_wait3A_436 = arith.constant 0 : i32
      %dma_wait3A_437 = tpu.memref_slice %arg2[%dma_wait3A_435, %dma_wait3A_436] : memref<8192x1024xf32, #tpu.memory_space<hbm>> -> memref<4x1024xf32, #tpu.memory_space<hbm>>
      %dma_wait3A_438 = arith.constant 0 : i32
      %dma_wait3A_439 = arith.constant 0 : i32
      %dma_wait3A_440 = tpu.memref_slice %arg2[%dma_wait3A_438, %dma_wait3A_439] : memref<8192x1024xf32, #tpu.memory_space<hbm>> -> memref<4x1024xf32, #tpu.memory_space<hbm>>
      tpu.wait_dma2 semaphore(%arg21 : memref<!tpu.dma_semaphore, #tpu.memory_space<semaphore_mem>>) src(%dma_wait3A_440 : memref<4x1024xf32, #tpu.memory_space<hbm>>) dst(%arg12 : memref<4x1024xf32, #tpu.memory_space<vmem>>)
      %and3A_441 = arith.constant 15 : i32
      %and3A_442 = arith.andi %add3A_434, %and3A_441 : i32
      %mul3A_443 = arith.constant 4 : i32
      %mul3A_444 = arith.muli %and3A_442, %mul3A_443 : i32
      %parallel_loop3A_445 = arith.constant 0 : i32
      %parallel_loop3A_446 = arith.constant 256 : i32
      %parallel_loop3A_447 = arith.constant 1 : i32
      scf.for %parallel_loop3A_467 = %parallel_loop3A_445 to %parallel_loop3A_446 step %parallel_loop3A_447  : i32 {
        %parallel_loop3A_468 = arith.constant 6 : i32
        %parallel_loop3A_469 = arith.shrui %parallel_loop3A_467, %parallel_loop3A_468 : i32
        %parallel_loop3A_470 = arith.constant 63 : i32
        %parallel_loop3A_471 = arith.andi %parallel_loop3A_467, %parallel_loop3A_470 : i32
        %parallel_loop3A_472 = arith.constant 4 : i32
        %parallel_loop3A_473 = arith.shli %parallel_loop3A_471, %parallel_loop3A_472 : i32
        %parallel_loop3A_474 = tpu.assume_multiple %parallel_loop3A_473, 16 : i32
        %parallel_loop3A_475 = arith.addi %mul3A_444, %parallel_loop3A_469 : i32
        %parallel_loop3A_476 = arith.index_cast %parallel_loop3A_475 : i32 to index
        %parallel_loop3A_477 = arith.index_cast %parallel_loop3A_474 : i32 to index
        %parallel_loop3A_478 = tpu.vector_load %arg13[%parallel_loop3A_476, %parallel_loop3A_477] {strides = array<i32>} : memref<64x1024xf32, #tpu.memory_space<vmem>>, vector<1x16xf32>,
        %parallel_loop3A_479 = vector.shape_cast %parallel_loop3A_478 : vector<1x16xf32> to vector<16xf32>
        %parallel_loop3A_480 = arith.index_cast %parallel_loop3A_469 : i32 to index
        %parallel_loop3A_481 = arith.index_cast %parallel_loop3A_474 : i32 to index
        %parallel_loop3A_482 = tpu.vector_load %arg12[%parallel_loop3A_480, %parallel_loop3A_481] {strides = array<i32>} : memref<4x1024xf32, #tpu.memory_space<vmem>>, vector<1x16xf32>,
        %parallel_loop3A_483 = vector.shape_cast %parallel_loop3A_482 : vector<1x16xf32> to vector<16xf32>
        %parallel_loop3A_484 = vector.shape_cast %parallel_loop3A_479 : vector<16xf32> to vector<1x16xf32>
        tpu.vector_store %arg12[%parallel_loop3A_480, %parallel_loop3A_481], %parallel_loop3A_484 {add = true, strides = array<i32>} : memref<4x1024xf32, #tpu.memory_space<vmem>>, vector<1x16xf32>,
      } {sc.loop_unroll_factor = 8 : i64, sc.parallel_access}
      %shift_right_logical3A_448 = arith.constant 4 : i32
      %shift_right_logical3A_449 = arith.shrui %add3A_434, %shift_right_logical3A_448 : i32
      %and3A_450 = arith.constant 15 : i32
      %and3A_451 = arith.andi %add3A_434, %and3A_450 : i32
      %mul3A_452 = arith.constant 2048 : i32
      %mul3A_453 = arith.muli %shift_right_logical3A_449, %mul3A_452 : i32
      %add3A_454 = arith.addi %mul3A_453, %mul3A_2 : i32
      %mul3A_455 = arith.constant 4 : i32
      %mul3A_456 = arith.muli %and3A_451, %mul3A_455 : i32
      %add3A_457 = arith.addi %add3A_454, %mul3A_456 : i32
      %dma_start3A_458 = arith.constant 0 : i32
      %dma_start3A_459 = tpu.memref_slice %arg4[%add3A_457, %dma_start3A_458] : memref<8192x1024xf32, #tpu.memory_space<hbm>> -> memref<4x1024xf32, #tpu.memory_space<hbm>>
      %dma_start3A_460 = arith.constant 0 : i32
      %dma_start3A_461 = tpu.memref_slice %arg4[%add3A_457, %dma_start3A_460] : memref<8192x1024xf32, #tpu.memory_space<hbm>> -> memref<4x1024xf32, #tpu.memory_space<hbm>>
      tpu.enqueue_dma source(%arg12 : memref<4x1024xf32, #tpu.memory_space<vmem>>) target(%dma_start3A_461 : memref<4x1024xf32, #tpu.memory_space<hbm>>) target_semaphore(%arg29 : memref<!tpu.dma_semaphore, #tpu.memory_space<semaphore_mem>>)
      %lt3A_462 = arith.constant 7 : i32
      %lt3A_463 = arith.cmpi slt, %add3A_119, %lt3A_462 : i32
      %convert_element_type3A_464 = arith.extui %lt3A_463 : i1 to i32
      %cond3A_465 = arith.constant 0 : i32
      %cond3A_466 = arith.cmpi ne, %convert_element_type3A_464, %cond3A_465 : i32
      scf.if %cond3A_466 {
        %dma_wait3A_467 = arith.constant 0 : i32
        %dma_wait3A_468 = arith.constant 0 : i32
        %dma_wait3A_469 = tpu.memref_slice %arg4[%dma_wait3A_467, %dma_wait3A_468] : memref<8192x1024xf32, #tpu.memory_space<hbm>> -> memref<4x1024xf32, #tpu.memory_space<hbm>>
        %dma_wait3A_470 = arith.constant 0 : i32
        %dma_wait3A_471 = arith.constant 0 : i32
        %dma_wait3A_472 = tpu.memref_slice %arg4[%dma_wait3A_470, %dma_wait3A_471] : memref<8192x1024xf32, #tpu.memory_space<hbm>> -> memref<4x1024xf32, #tpu.memory_space<hbm>>
        tpu.wait_dma2 semaphore(%arg25 : memref<!tpu.dma_semaphore, #tpu.memory_space<semaphore_mem>>) src(%arg8 : memref<4x1024xf32, #tpu.memory_space<vmem>>) dst(%dma_wait3A_472 : memref<4x1024xf32, #tpu.memory_space<hbm>>)
        %add3A_473 = arith.constant 4 : i32
        %add3A_474 = arith.addi %add3A_434, %add3A_473 : i32
        %shift_right_logical3A_475 = arith.constant 4 : i32
        %shift_right_logical3A_476 = arith.shrui %add3A_474, %shift_right_logical3A_475 : i32
        %and3A_477 = arith.constant 15 : i32
        %and3A_478 = arith.andi %add3A_474, %and3A_477 : i32
        %mul3A_479 = arith.constant 2048 : i32
        %mul3A_480 = arith.muli %shift_right_logical3A_476, %mul3A_479 : i32
        %add3A_481 = arith.addi %mul3A_480, %mul3A_2 : i32
        %mul3A_482 = arith.constant 4 : i32
        %mul3A_483 = arith.muli %and3A_478, %mul3A_482 : i32
        %add3A_484 = arith.addi %add3A_481, %mul3A_483 : i32
        %dma_start3A_485 = arith.constant 0 : i32
        %dma_start3A_486 = tpu.memref_slice %arg2[%add3A_484, %dma_start3A_485] : memref<8192x1024xf32, #tpu.memory_space<hbm>> -> memref<4x1024xf32, #tpu.memory_space<hbm>>
        %dma_start3A_487 = arith.constant 0 : i32
        %dma_start3A_488 = tpu.memref_slice %arg2[%add3A_484, %dma_start3A_487] : memref<8192x1024xf32, #tpu.memory_space<hbm>> -> memref<4x1024xf32, #tpu.memory_space<hbm>>
        tpu.enqueue_dma source(%dma_start3A_488 : memref<4x1024xf32, #tpu.memory_space<hbm>>) target(%arg8 : memref<4x1024xf32, #tpu.memory_space<vmem>>) target_semaphore(%arg17 : memref<!tpu.dma_semaphore, #tpu.memory_space<semaphore_mem>>)
      } else {
      }
    }
    %scan3A_67 = arith.constant 8 : i32
    %dma_wait3A = arith.constant 0 : i32
    %dma_wait3A_68 = arith.constant 0 : i32
    %dma_wait3A_69 = tpu.memref_slice %arg4[%dma_wait3A, %dma_wait3A_68] : memref<8192x1024xf32, #tpu.memory_space<hbm>> -> memref<4x1024xf32, #tpu.memory_space<hbm>>
    %dma_wait3A_70 = arith.constant 0 : i32
    %dma_wait3A_71 = arith.constant 0 : i32
    %dma_wait3A_72 = tpu.memref_slice %arg4[%dma_wait3A_70, %dma_wait3A_71] : memref<8192x1024xf32, #tpu.memory_space<hbm>> -> memref<4x1024xf32, #tpu.memory_space<hbm>>
    tpu.wait_dma2 semaphore(%arg22 : memref<!tpu.dma_semaphore, #tpu.memory_space<semaphore_mem>>) src(%arg5 : memref<4x1024xf32, #tpu.memory_space<vmem>>) dst(%dma_wait3A_72 : memref<4x1024xf32, #tpu.memory_space<hbm>>)
    %dma_wait3A_73 = arith.constant 0 : i32
    %dma_wait3A_74 = arith.constant 0 : i32
    %dma_wait3A_75 = tpu.memref_slice %arg4[%dma_wait3A_73, %dma_wait3A_74] : memref<8192x1024xf32, #tpu.memory_space<hbm>> -> memref<4x1024xf32, #tpu.memory_space<hbm>>
    %dma_wait3A_76 = arith.constant 0 : i32
    %dma_wait3A_77 = arith.constant 0 : i32
    %dma_wait3A_78 = tpu.memref_slice %arg4[%dma_wait3A_76, %dma_wait3A_77] : memref<8192x1024xf32, #tpu.memory_space<hbm>> -> memref<4x1024xf32, #tpu.memory_space<hbm>>
    tpu.wait_dma2 semaphore(%arg23 : memref<!tpu.dma_semaphore, #tpu.memory_space<semaphore_mem>>) src(%arg6 : memref<4x1024xf32, #tpu.memory_space<vmem>>) dst(%dma_wait3A_78 : memref<4x1024xf32, #tpu.memory_space<hbm>>)
    %dma_wait3A_79 = arith.constant 0 : i32
    %dma_wait3A_80 = arith.constant 0 : i32
    %dma_wait3A_81 = tpu.memref_slice %arg4[%dma_wait3A_79, %dma_wait3A_80] : memref<8192x1024xf32, #tpu.memory_space<hbm>> -> memref<4x1024xf32, #tpu.memory_space<hbm>>
    %dma_wait3A_82 = arith.constant 0 : i32
    %dma_wait3A_83 = arith.constant 0 : i32
    %dma_wait3A_84 = tpu.memref_slice %arg4[%dma_wait3A_82, %dma_wait3A_83] : memref<8192x1024xf32, #tpu.memory_space<hbm>> -> memref<4x1024xf32, #tpu.memory_space<hbm>>
    tpu.wait_dma2 semaphore(%arg24 : memref<!tpu.dma_semaphore, #tpu.memory_space<semaphore_mem>>) src(%arg7 : memref<4x1024xf32, #tpu.memory_space<vmem>>) dst(%dma_wait3A_84 : memref<4x1024xf32, #tpu.memory_space<hbm>>)
    %dma_wait3A_85 = arith.constant 0 : i32
    %dma_wait3A_86 = arith.constant 0 : i32
    %dma_wait3A_87 = tpu.memref_slice %arg4[%dma_wait3A_85, %dma_wait3A_86] : memref<8192x1024xf32, #tpu.memory_space<hbm>> -> memref<4x1024xf32, #tpu.memory_space<hbm>>
    %dma_wait3A_88 = arith.constant 0 : i32
    %dma_wait3A_89 = arith.constant 0 : i32
    %dma_wait3A_90 = tpu.memref_slice %arg4[%dma_wait3A_88, %dma_wait3A_89] : memref<8192x1024xf32, #tpu.memory_space<hbm>> -> memref<4x1024xf32, #tpu.memory_space<hbm>>
    tpu.wait_dma2 semaphore(%arg25 : memref<!tpu.dma_semaphore, #tpu.memory_space<semaphore_mem>>) src(%arg8 : memref<4x1024xf32, #tpu.memory_space<vmem>>) dst(%dma_wait3A_90 : memref<4x1024xf32, #tpu.memory_space<hbm>>)
    %dma_wait3A_91 = arith.constant 0 : i32
    %dma_wait3A_92 = arith.constant 0 : i32
    %dma_wait3A_93 = tpu.memref_slice %arg4[%dma_wait3A_91, %dma_wait3A_92] : memref<8192x1024xf32, #tpu.memory_space<hbm>> -> memref<4x1024xf32, #tpu.memory_space<hbm>>
    %dma_wait3A_94 = arith.constant 0 : i32
    %dma_wait3A_95 = arith.constant 0 : i32
    %dma_wait3A_96 = tpu.memref_slice %arg4[%dma_wait3A_94, %dma_wait3A_95] : memref<8192x1024xf32, #tpu.memory_space<hbm>> -> memref<4x1024xf32, #tpu.memory_space<hbm>>
    tpu.wait_dma2 semaphore(%arg26 : memref<!tpu.dma_semaphore, #tpu.memory_space<semaphore_mem>>) src(%arg9 : memref<4x1024xf32, #tpu.memory_space<vmem>>) dst(%dma_wait3A_96 : memref<4x1024xf32, #tpu.memory_space<hbm>>)
    %dma_wait3A_97 = arith.constant 0 : i32
    %dma_wait3A_98 = arith.constant 0 : i32
    %dma_wait3A_99 = tpu.memref_slice %arg4[%dma_wait3A_97, %dma_wait3A_98] : memref<8192x1024xf32, #tpu.memory_space<hbm>> -> memref<4x1024xf32, #tpu.memory_space<hbm>>
    %dma_wait3A_100 = arith.constant 0 : i32
    %dma_wait3A_101 = arith.constant 0 : i32
    %dma_wait3A_102 = tpu.memref_slice %arg4[%dma_wait3A_100, %dma_wait3A_101] : memref<8192x1024xf32, #tpu.memory_space<hbm>> -> memref<4x1024xf32, #tpu.memory_space<hbm>>
    tpu.wait_dma2 semaphore(%arg27 : memref<!tpu.dma_semaphore, #tpu.memory_space<semaphore_mem>>) src(%arg10 : memref<4x1024xf32, #tpu.memory_space<vmem>>) dst(%dma_wait3A_102 : memref<4x1024xf32, #tpu.memory_space<hbm>>)
    %dma_wait3A_103 = arith.constant 0 : i32
    %dma_wait3A_104 = arith.constant 0 : i32
    %dma_wait3A_105 = tpu.memref_slice %arg4[%dma_wait3A_103, %dma_wait3A_104] : memref<8192x1024xf32, #tpu.memory_space<hbm>> -> memref<4x1024xf32, #tpu.memory_space<hbm>>
    %dma_wait3A_106 = arith.constant 0 : i32
    %dma_wait3A_107 = arith.constant 0 : i32
    %dma_wait3A_108 = tpu.memref_slice %arg4[%dma_wait3A_106, %dma_wait3A_107] : memref<8192x1024xf32, #tpu.memory_space<hbm>> -> memref<4x1024xf32, #tpu.memory_space<hbm>>
    tpu.wait_dma2 semaphore(%arg28 : memref<!tpu.dma_semaphore, #tpu.memory_space<semaphore_mem>>) src(%arg11 : memref<4x1024xf32, #tpu.memory_space<vmem>>) dst(%dma_wait3A_108 : memref<4x1024xf32, #tpu.memory_space<hbm>>)
    %dma_wait3A_109 = arith.constant 0 : i32
    %dma_wait3A_110 = arith.constant 0 : i32
    %dma_wait3A_111 = tpu.memref_slice %arg4[%dma_wait3A_109, %dma_wait3A_110] : memref<8192x1024xf32, #tpu.memory_space<hbm>> -> memref<4x1024xf32, #tpu.memory_space<hbm>>
    %dma_wait3A_112 = arith.constant 0 : i32
    %dma_wait3A_113 = arith.constant 0 : i32
    %dma_wait3A_114 = tpu.memref_slice %arg4[%dma_wait3A_112, %dma_wait3A_113] : memref<8192x1024xf32, #tpu.memory_space<hbm>> -> memref<4x1024xf32, #tpu.memory_space<hbm>>
    tpu.wait_dma2 semaphore(%arg29 : memref<!tpu.dma_semaphore, #tpu.memory_space<semaphore_mem>>) src(%arg12 : memref<4x1024xf32, #tpu.memory_space<vmem>>) dst(%dma_wait3A_114 : memref<4x1024xf32, #tpu.memory_space<hbm>>)
    return
  }
}

module attributes {stable_mosaic.version = 14 : i64} {
  func.func @_tc_body2(%arg0: i32, %arg1: i32, %arg2: memref<1x1024x1024xf32, #tpu.memory_space<vmem>>, %arg3: memref<1x1024x1024xf32, #tpu.memory_space<vmem>>, %arg4: memref<1024x1024xf32, #tpu.memory_space<vmem>>, %arg5: memref<1x1024x1024xf32, #tpu.memory_space<vmem>>, %arg6: memref<1x1024x1024xf32, #tpu.memory_space<vmem>>) attributes {dimension_semantics = [#tpu.dimension_semantics<arbitrary>, #tpu.dimension_semantics<arbitrary>], iteration_bounds = array<i64: 2, 4>, scalar_prefetch = 0 : i64, scratch_operands = 0 : i64, tpu.core_type = #tpu.core_type<tc>, window_params = [{transform_indices = @transform_0, window_bounds = array<i64: 1, 1024, 1024>}, {transform_indices = @transform_1, window_bounds = array<i64: 1, 1024, 1024>}, {transform_indices = @transform_2, window_bounds = array<i64: 1024, 1024>}, {transform_indices = @transform_3, window_bounds = array<i64: 1, 1024, 1024>}, {transform_indices = @transform_4, window_bounds = array<i64: 1, 1024, 1024>}]} {
    %get3A = arith.constant 0 : index
    %get3A_0 = arith.constant 0 : index
    %get3A_1 = vector.load %arg4[%get3A, %get3A_0] : memref<1024x1024xf32, #tpu.memory_space<vmem>>, vector<1024x1024xf32>
    %get3A_2 = arith.constant 0 : index
    %get3A_3 = arith.constant 0 : index
    %get3A_4 = arith.constant 0 : index
    %get3A_5 = vector.load %arg2[%get3A_2, %get3A_3, %get3A_4] : memref<1x1024x1024xf32, #tpu.memory_space<vmem>>, vector<1x1024x1024xf32>
    %get3A_6 = vector.shape_cast %get3A_5 : vector<1x1024x1024xf32> to vector<1024x1024xf32>
    %add3A = arith.addf %get3A_6, %get3A_1 : vector<1024x1024xf32>
    %swap3A = arith.constant 0 : index
    %swap3A_7 = arith.constant 0 : index
    %swap3A_8 = arith.constant 0 : index
    %swap3A_9 = vector.load %arg5[%swap3A, %swap3A_7, %swap3A_8] : memref<1x1024x1024xf32, #tpu.memory_space<vmem>>, vector<1x1024x1024xf32>
    %swap3A_10 = vector.shape_cast %swap3A_9 : vector<1x1024x1024xf32> to vector<1024x1024xf32>
    %swap3A_11 = vector.shape_cast %add3A : vector<1024x1024xf32> to vector<1x1024x1024xf32>
    tpu.vector_store %arg5[%swap3A, %swap3A_7, %swap3A_8], %swap3A_11 {strides = array<i32>} : memref<1x1024x1024xf32, #tpu.memory_space<vmem>>, vector<1x1024x1024xf32>,
    %get3A_12 = arith.constant 0 : index
    %get3A_13 = arith.constant 0 : index
    %get3A_14 = arith.constant 0 : index
    %get3A_15 = vector.load %arg3[%get3A_12, %get3A_13, %get3A_14] : memref<1x1024x1024xf32, #tpu.memory_space<vmem>>, vector<1x1024x1024xf32>
    %get3A_16 = vector.shape_cast %get3A_15 : vector<1x1024x1024xf32> to vector<1024x1024xf32>
    %add3A_17 = arith.addf %get3A_16, %get3A_1 : vector<1024x1024xf32>
    %swap3A_18 = arith.constant 0 : index
    %swap3A_19 = arith.constant 0 : index
    %swap3A_20 = arith.constant 0 : index
    %swap3A_21 = vector.load %arg6[%swap3A_18, %swap3A_19, %swap3A_20] : memref<1x1024x1024xf32, #tpu.memory_space<vmem>>, vector<1x1024x1024xf32>
    %swap3A_22 = vector.shape_cast %swap3A_21 : vector<1x1024x1024xf32> to vector<1024x1024xf32>
    %swap3A_23 = vector.shape_cast %add3A_17 : vector<1024x1024xf32> to vector<1x1024x1024xf32>
    tpu.vector_store %arg6[%swap3A_18, %swap3A_19, %swap3A_20], %swap3A_23 {strides = array<i32>} : memref<1x1024x1024xf32, #tpu.memory_space<vmem>>, vector<1x1024x1024xf32>,
    return
  }
  func.func @transform_0(%arg0: i32, %arg1: i32) -> (i32, i32, i32) {
    %c0_i32 = arith.constant 0 : i32
    %c0_i32_0 = arith.constant 0 : i32
    return %arg1, %arg0, %c0_i32 : i32, i32, i32
  }
  func.func @transform_1(%arg0: i32, %arg1: i32) -> (i32, i32, i32) {
    %c0_i32 = arith.constant 0 : i32
    %c0_i32_0 = arith.constant 0 : i32
    return %arg1, %arg0, %c0_i32 : i32, i32, i32
  }
  func.func @transform_2(%arg0: i32, %arg1: i32) -> (i32, i32) {
    %c0_i32 = arith.constant 0 : i32
    %c0_i32_0 = arith.constant 0 : i32
    return %arg0, %c0_i32 : i32, i32
  }
  func.func @transform_3(%arg0: i32, %arg1: i32) -> (i32, i32, i32) {
    %c0_i32 = arith.constant 0 : i32
    %c0_i32_0 = arith.constant 0 : i32
    return %arg1, %arg0, %c0_i32 : i32, i32, i32
  }
  func.func @transform_4(%arg0: i32, %arg1: i32) -> (i32, i32, i32) {
    %c0_i32 = arith.constant 0 : i32
    %c0_i32_0 = arith.constant 0 : i32
    return %arg1, %arg0, %c0_i32 : i32, i32, i32
  }
}

</mosaic_0001>

<sc_bundles>
// kernel: kernel.4.cloned.1.call-start
scs
__scs_entry_jumppad:
0x0: {  	(pc) =	sbr.rel $0x88, $3  }
0x1: {  	(tag) =	ssettag $0x0;
	lr =	simm.s32 $0x1  }
0x2: {  	[smem:$0x3F9D] =	sst lr;
	_ =	strace $0xD0000000  }
0x3: {  	_ = 	snop  }
0x4: {  	_ = 	snop  }
0x5: {  	_ = 	snop  }
0x6: {  	_ = 	snop  }
0x7: {  	_ = 	snop  }
__scs_overlays_trampoline_lowered:
0x8: {  	[smem:$0x3FAC] =	sst s0  }
0x9: {  	[smem:$0x3FAD] =	sst s1  }
0xa: {  	[smem:$0x3FAE] =	sst s2  }
0xb: {  	[smem:$0x3FAF] =	sst s3  }
0xc: {  	[smem:$0x3FB0] =	sst s4  }
0xd: {  	[smem:$0x3FB1] =	sst s5  }
0xe: {  	[smem:$0x3FB2] =	sst s6  }
0xf: {  	[smem:$0x3FB3] =	sst s7  }
0x10: {  	[smem:$0x3FB4] =	sst s8  }
0x11: {  	[smem:$0x3FB5] =	sst s9;
	s0 =	simm.s32 @!p0 $0x0  }
0x12: {  	s1 =	sld [smem:$0x3F9B];
	s0 =	simm.s32 @p0 $0x1  }
0x13: {  	[smem:$0x3FB6] =	sst s0;
	s0 =	simm.s32 @!p1 $0x0  }
0x14: {  	s2 =	sld [smem:$0x3F9A];
	s0 =	simm.s32 @p1 $0x1  }
0x15: {  	[smem:$0x3FB7] =	sst s0;
	s0 =	simm.s32 @!p2 $0x0  }
0x16: {  	s3 =	sld [smem:$0x3FDB];
	s0 =	simm.s32 @p2 $0x1  }
0x17: {  	s4 =	simm.s32 $0x1BF5;
	[smem:$0x3FB9] =	sst s0  }
0x18: {  	s0 =	sld [smem:$0x3F9C];
	_ =	swait.ge [sflag:s4], $0x0  }
0x19: {  	s7 =	sld [smem:$0x3F9D]  }
0x1a: {  	s8 =	sadd.s32 $0xFFFFE003, lr  }
0x1b: {  	s9 =	sadd.s32 $0xFFFFFEF7, lr;
	s5 =	simm.s32 $0xFFFFFFFF;
	p2 =	slt.u32 s8, $0xFFFFF086  }
0x1c: {  	p1 =	slt.u32 s9, $0xF7A;
	s5 =	simm.s32 @!p2 $0x0  }
0x1d: {  	s5 =	simm.s32 @p1 $0x1;
	p0 =	seq.s32 s7, s2  }
0x1e: {  	s7 =	smul.u32 @!p0 $0xF7A, s2;
	p2 =	seq.s32 @!p0 s5, $0x0  }
0x1f: {  	s9 =	smul.u32 $0xF7A, s1;
	s8 =	simm.s32 @!p0 $0x1BF5;
	p2 =	por !p2, p0  }
0x20: {  	[sflag:s8] =	ssyncset.s32 @!p0 $0xFFFFF086;
	s6 =	sadd.s32 @!p0 s3, s7;
	s7 =	simm.s32 @!p0 $0x108  }
0x21: {  	s3 =	sadd.s32 s3, s9;
	s6 =	sadd.s32 @!p0 $0x88, s6;
	s7 =	simm.s32 @p2 $0x1082  }
0x22: {  	[simem:s7], [sflag:s8] =	dma.local @!p0 [hbm:s6], $0xF7A  }
0x23: {  	s9 =	sor.u32 $0xD0000000, s2;
	s6 =	simm.s32 $0x108;
	_ =	swait.ge @!p0 [sflag:s8], $0x0  }
0x24: {  	s3 =	sadd.s32 $0x88, s3;
	s6 =	simm.s32 @!p1 $0x1082;
	[sflag:s4] =	ssyncset.s32 $0xFFFFF086  }
0x25: {  	[simem:s6], [sflag:s4] =	dma.local [hbm:s3], $0xF7A  }
0x26: {  	[smem:$0x3F9D] =	sst s1;
	(tag) =	ssettag s2;
	_ =	strace s9  }
0x27: {  	s1 =	sld [smem:$0x3FAD]  }
0x28: {  	s2 =	sld [smem:$0x3FAE]  }
0x29: {  	s4 =	sld [smem:$0x3FB0]  }
0x2a: {  	p0 =	seq.s32 s5, $0x0;
	s5 =	sld [smem:$0x3FB1]  }
0x2b: {  	s6 =	sld [smem:$0x3FB2]  }
0x2c: {  	s7 =	sld [smem:$0x3FB3]  }
0x2d: {  	s3 =	simm.s32 $0x108;
	s8 =	sld [smem:$0x3FB4]  }
0x2e: {  	s3 =	simm.s32 @!p0 $0x1082;
	s9 =	sld [smem:$0x3FB5]  }
0x2f: {  	lr =	sadd.s32 s0, s3;
	s0 =	sld [smem:$0x3FAC]  }
0x30: {  	s3 =	sld [smem:$0x3FAF]  }
0x31: {  	[smem:$0x3FB8] =	sst s10  }
0x32: {  	s10 =	sld [smem:$0x3FB6];
	_ =	sdelay $0x3  }
0x33: {  	p0 =	seq.s32 s10, $0x1;
	s10 =	sld [smem:$0x3FB8];
	_ =	sdelay $0x3  }
0x34: {  	[smem:$0x3FB8] =	sst s10  }
0x35: {  	s10 =	sld [smem:$0x3FB7];
	_ =	sdelay $0x3  }
0x36: {  	p1 =	seq.s32 s10, $0x1;
	s10 =	sld [smem:$0x3FB8];
	_ =	sdelay $0x3  }
0x37: {  	[smem:$0x3FB8] =	sst s10  }
0x38: {  	s10 =	sld [smem:$0x3FB9]  }
0x39: {  	_ = 	snop;
	(pc) =	sbr.ind lr, $3  }
0x3a: {  	_ = 	snop  }
0x3b: {  	_ = 	snop  }
0x3c: {  	p2 =	seq.s32 s10, $0x1;
	s10 =	sld [smem:$0x3FB8]  }
0x3d: {  	_ =	shalt  }
0x3e: {  	_ =	shalt  }
0x3f: {  	_ =	shalt  }
0x40: {  	_ =	shalt  }
0x41: {  	_ =	shalt  }
0x42: {  	_ =	shalt  }
0x43: {  	_ =	shalt  }
0x44: {  	_ =	shalt  }
0x45: {  	_ =	shalt  }
0x46: {  	_ =	shalt  }
0x47: {  	_ =	shalt  }
0x48: {  	_ =	shalt  }
0x49: {  	_ =	shalt  }
0x4a: {  	_ =	shalt  }
0x4b: {  	_ =	shalt  }
0x4c: {  	_ =	shalt  }
0x4d: {  	_ =	shalt  }
0x4e: {  	_ =	shalt  }
0x4f: {  	_ =	shalt  }
0x50: {  	_ =	shalt  }
0x51: {  	_ =	shalt  }
0x52: {  	_ =	shalt  }
0x53: {  	_ =	shalt  }
0x54: {  	_ =	shalt  }
0x55: {  	_ =	shalt  }
0x56: {  	_ =	shalt  }
0x57: {  	_ =	shalt  }
0x58: {  	_ =	shalt  }
0x59: {  	_ =	shalt  }
0x5a: {  	_ =	shalt  }
0x5b: {  	_ =	shalt  }
0x5c: {  	_ =	shalt  }
0x5d: {  	_ =	shalt  }
0x5e: {  	_ =	shalt  }
0x5f: {  	_ =	shalt  }
0x60: {  	_ =	shalt  }
0x61: {  	_ =	shalt  }
0x62: {  	_ =	shalt  }
0x63: {  	_ =	shalt  }
0x64: {  	_ =	shalt  }
0x65: {  	_ =	shalt  }
0x66: {  	_ =	shalt  }
0x67: {  	_ =	shalt  }
0x68: {  	_ =	shalt  }
0x69: {  	_ =	shalt  }
0x6a: {  	_ =	shalt  }
0x6b: {  	_ =	shalt  }
0x6c: {  	_ =	shalt  }
0x6d: {  	_ =	shalt  }
0x6e: {  	_ =	shalt  }
0x6f: {  	_ =	shalt  }
0x70: {  	_ =	shalt  }
0x71: {  	_ =	shalt  }
0x72: {  	_ =	shalt  }
0x73: {  	_ =	shalt  }
0x74: {  	_ =	shalt  }
0x75: {  	_ =	shalt  }
0x76: {  	_ =	shalt  }
0x77: {  	_ =	shalt  }
0x78: {  	_ =	shalt  }
0x79: {  	_ =	shalt  }
0x7a: {  	_ =	shalt  }
0x7b: {  	_ =	shalt  }
0x7c: {  	_ =	shalt  }
0x7d: {  	_ =	shalt  }
0x7e: {  	_ =	shalt  }
0x7f: {  	_ =	shalt  }
0x80: {  	_ =	shalt  }
0x81: {  	_ =	shalt  }
0x82: {  	_ =	shalt  }
0x83: {  	_ =	shalt  }
0x84: {  	_ =	shalt  }
0x85: {  	_ =	shalt  }
0x86: {  	_ =	shalt  }
0x87: {  	_ =	shalt  }
.Lfunc_end0:
.L_simem_size_0:
called_computation_lowered:
.L_overlay_start_0:
0x88: {  	s2 =	sld [smem:$0x3FD9]  }
0x89: {  	s3 =	sld [smem:$0x3FFE];
	_ =	sdelay $0x1  }
0x8a: {  	s1 =	srdreg.scid  }
0x8b: {  	s0 =	sand.u32 $0x1, s1  }
0x8c: {  	s15 =	sshll.u32 s0, $0xA;
	s2 =	sadd.s32 s3, s2  }
0x8d: {  	s2 =	sadd.s32 s2, s15  }
0x8e: {  	[smem:$0x3FC4] =	sst s2  }
0x8f: {  	_ = 	snop  }
0x90: {  	s2 =	sld [smem:$0x3FD0];
	_ =	sdelay $0x1  }
0x91: {  	s16 =	sld [smem:$0x3FC7]  }
0x92: {  	s5 =	simm.s32 $0xA;
	s6 =	simm.s32 $0x10;
	s4 =	sld [smem:$0x3FC6]  }
0x93: {  	[smem:s6], [sflag:s5] =	dma.local [hbm:s2], $0x1  }
0x94: {  	_ =	swait.eq [sflag:s5], $0x1  }
0x95: {  	[sflag:s5] =	ssyncset.done $0x0  }
0x96: {  	[sflag:s5] =	ssyncadd.s32 $0xFFFFFFFF  }
0x97: {  	s17 =	sld [smem:$0x12];
	(tm) =	ssettm $0x1  }
0x98: {  	s18 =	sld [smem:$0x3FFB];
	_ =	sdelay $0x3  }
0x99: {  	_ =	strace s18  }
0x9a: {  	s5 =	sld [smem:$0x3FFC];
	_ =	sdelay $0x3  }
0x9b: {  	_ =	strace s5  }
0x9c: {  	s5 =	sld [smem:$0x3FFD];
	_ =	sdelay $0x3  }
0x9d: {  	_ =	strace s5  }
0x9e: {  	_ =	strace $0x8FFFFFFF  }
0x9f: {  	s19 =	sld [smem:$0x3FDB];
	_ =	sdelay $0x1  }
0xa0: {  	s20 =	simm.s32 $_scs_section_size  }
0xa1: {  	s7 =	simm.s32 $_size__tile_overlayer_lowered;
	s8 =	simm.s32 $_tile_overlayer_lowered  }
0xa2: {  	s23 =	simm.s32 $0x1BFF;
	s22 =	sshll.u32 s8, $0x1;
	s5 =	sadd.s32 s20, s19  }
0xa3: {  	s9 =	simm.s32 $0x0;
	s21 =	sshll.u32 s7, $0x1;
	s7 =	sadd.s32 s22, s5  }
0xa4: {  	[timem:s9], [sflag:s23] =	dma.local [hbm:s7], s21  }
0xa5: {  	_ =	swait.ge [sflag:s23], s21  }
0xa6: {  	s6 =	ssub.s32 $0x0, s21;
	[sflag:s23] =	ssyncset.done $0x0  }
0xa7: {  	[sflag:s23] =	ssyncadd.s32 s6;
	_ =	sdelay $0x1  }
0xa8: {  	s24 =	simm.s32 $0x1B8B  }
0xa9: {  	_ =	swait.ge [sflag:s24], $0x1  }
0xaa: {  	[sflag:s24] =	ssyncset.done $0x0  }
0xab: {  	s25 =	simm.s32 $0x1B8E;
	[sflag:s24] =	ssyncadd.s32 $0xFFFFFFFF  }
0xac: {  	s26 =	simm.s32 $execute0_lowered;
	[smem:$0x3FD2] =	sst s25  }
0xad: {  	s6 =	sshll.u32 s26, $0x1;
	_ =	strace $0x80000046;
	[dreg:$0x1] =	wrdreg $0xFFFFFFFF  }
0xae: {  	s28 =	simm.s32 $_size_execute0_lowered;
	s5 =	sadd.s32 s5, s6;
	[dreg:$0x0] =	wrdreg $0x0  }
0xaf: {  	s6 =	sshll.u32 s28, $0x1;
	[dreg:$0x2] =	wrdreg s5  }
0xb0: {  	[dreg:$0x3] =	wrdreg s6  }
0xb1: {  	[dreg:$0x4] =	wrdreg $0xC0  }
0xb2: {  	_ =	task [dreg:s9], $0x5FFFF  }
0xb3: {  	[dreg:$0x1] =	wrdreg $0xFFFFFFFF  }
0xb4: {  	[dreg:$0x0] =	wrdreg $0x60  }
0xb5: {  	[dreg:$0x2] =	wrdreg s16  }
0xb6: {  	[dreg:$0x3] =	wrdreg s4  }
0xb7: {  	[dreg:$0x4] =	wrdreg s17  }
0xb8: {  	[dreg:$0x5] =	wrdreg $0x9  }
0xb9: {  	_ =	task.clear_ibuf [dreg:s9], $0x6FFFF;
	_ =	strace $0x90000046  }
0xba: {  	s29 =	simm.s32 $0x9;
	_ =	strace $0x80000048  }
0xbb: {  	_ =	swait.ge [sflag:s29], $0x1  }
0xbc: {  	[sflag:s29] =	ssyncadd.s32 $0xFFFFFFFF  }
0xbd: {  	_ =	strace $0x90000048  }
0xbe: {  	_ =	sfence  }
0xbf: {  	s30 =	sld [smem:$0x0];
	_ =	sdelay $0x2  }
0xc0: {  	s31 =	sshll.u32 s1, $0xD;
	s1 =	sshrl.u32 s1, $0x2  }
0xc1: {  	s3 =	sand.u32 $0x4000, s31;
	s1 =	sadd.s32 s1, s30  }
0xc2: {  	s0 =	sor.u32 s3, s0;
	s1 =	sshll.u32 s1, $0x11  }
0xc3: {  	s0 =	sor.u32 s1, s0  }
0xc4: {  	s0 =	sadd.s32 $0x8F2B, s0  }
0xc5: {  	[sflag:s0] =	ssyncadd.remote.s32 $0x1  }
0xc6: {  	_ =	sfence.sel $0xFFFF  }
0xc7: {  	[dreg:$0x0] =	wrdreg $0xFFFFFFFF;
	(pc) =	sbr.abs _section_cstart, $3  }
0xc8: {  	[dreg:$0x1] =	wrdreg $0xFFFFFFFF  }
0xc9: {  	_ =	task.clear_ibuf [dreg:s9], $0x2FFFF;
	_ =	strace $0x9FFFFFFF  }
0xca: {  	(tm) =	ssettm $0x7FFFFFFF  }
0xcb: {  	_ =	shalt  }
tec
execute0_lowered:
.L_overlay_start_1:
0x0: {  	(tag) =	ssettag $0x1  }
0x1: {  	s1 =	rddreg [dreg:$0x0]  }
0x2: {  	s0 =	rddreg [dreg:$0x1]  }
0x3: {  	s3 =	rddreg [dreg:$0x2]  }
0x4: {  	s2 =	srdreg.scid;
	s6 =	simm.s32 $0x0;
	s5 =	stileid.u32  }
0x5: {  	s16 =	simm.s32 $0x200;
	s17 =	simm.s32 $0x400;
	s2 =	sand.u32 $0x1, s2  }
0x6: {  	s5 =	sshll.u32 s5, $0x7;
	s4 =	ssub.s32 $0x2, s2;
	s2 =	sshll.u32 s2, $0x6  }
0x7: {  	s30 =	simm.s32 $0x3000;
	s29 =	simm.s32 $0x4000;
	s5 =	sor.u32 s2, s5  }
0x8: {  	[smem:$0x7FF] =	sst s6;
	s8 =	sadd.s32 $0x40, s1;
	s24 =	sshll.u32 s5, $0x7  }
0x9: {  	_ =	strace $0x80000047;
	s22 =	sshrl.u32 s4, $0x1;
	s0 =	sadd.s32 s0, s24  }
0xa: {  	s23 =	ssub.s32 s4, s22;
	s4 =	sadd.s32 s24, s8;
	[dreg:$0x4] =	wrdreg s0  }
.Ltmp0:
0xb: {  	s25 =	sadd.s32 s1, s24;
	[dreg:$0x6] =	wrdreg s4;
	(pc) =	sbr.rel .LBB2_1-.Ltmp0, $4  }
0xc: {  	s31 =	simm.s32 $0x5000;
	s28 =	smax.u32 s23, $0x1;
	[dreg:$0x5] =	wrdreg s25  }
0xd: {  	s10 =	simm.s32 $0xC;
	s26 =	sadd.s32 $0x400, s25;
	[dreg:$0x9] =	wrdreg s28  }
0xe: {  	s12 =	sadd.s32 $0x40, s3;
	s0 =	sadd.s32 $0x440, s25;
	[dreg:$0x7] =	wrdreg s26  }
0xf: {  	s6 =	simm.s32 $0x0;
	s2 =	simm.s32 $0x8;
	[dreg:$0x8] =	wrdreg s0  }
.LBB2_20:
0x10: {  	s0 =	simm.s32 $0x9  }
0x11: {  	_ =	swait.ge [sflag:s0], $0x1000  }
0x12: {  	[sflag:s0] =	ssyncset.done $0x0  }
0x13: {  	s22 =	simm.s32 $0xA;
	[sflag:s0] =	ssyncadd.s32 $0xFFFFF000  }
0x14: {  	_ =	swait.ge [sflag:s22], $0x1000  }
0x15: {  	[sflag:s22] =	ssyncset.done $0x0  }
0x16: {  	s23 =	simm.s32 $0xB;
	[sflag:s22] =	ssyncadd.s32 $0xFFFFF000  }
0x17: {  	_ =	swait.ge [sflag:s23], $0x1000  }
0x18: {  	[sflag:s23] =	ssyncset.done $0x0  }
0x19: {  	[sflag:s23] =	ssyncadd.s32 $0xFFFFF000  }
0x1a: {  	_ =	swait.ge [sflag:s10], $0x1000  }
0x1b: {  	[sflag:s10] =	ssyncset.done $0x0  }
0x1c: {  	s24 =	simm.s32 $0xD;
	[sflag:s10] =	ssyncadd.s32 $0xFFFFF000  }
0x1d: {  	_ =	swait.ge [sflag:s24], $0x1000  }
0x1e: {  	[sflag:s24] =	ssyncset.done $0x0  }
0x1f: {  	s25 =	simm.s32 $0xE;
	[sflag:s24] =	ssyncadd.s32 $0xFFFFF000  }
0x20: {  	_ =	swait.ge [sflag:s25], $0x1000  }
0x21: {  	[sflag:s25] =	ssyncset.done $0x0  }
0x22: {  	s26 =	simm.s32 $0xF;
	[sflag:s25] =	ssyncadd.s32 $0xFFFFF000  }
0x23: {  	_ =	swait.ge [sflag:s26], $0x1000  }
0x24: {  	[sflag:s26] =	ssyncset.done $0x0  }
0x25: {  	s4 =	simm.s32 $0x10;
	[sflag:s26] =	ssyncadd.s32 $0xFFFFF000  }
0x26: {  	_ =	swait.ge [sflag:s4], $0x1000  }
0x27: {  	s6 =	rddreg [dreg:$0xa]  }
0x28: {  	s28 =	rddreg [dreg:$0x9];
	s6 =	sadd.s32 $0x1, s6  }
0x29: {  	p0 =	sne.s32 s6, s28  }
.Ltmp1:
0x2a: {  	_ = 	snop;
	(pc) =	sbr.rel @!p0 .LBB2_21-.Ltmp1, $3  }
0x2b: {  	_ =	sdelay $0x1  }
0x2c: {  	[sflag:s4] =	ssyncset.done $0x0  }
0x2d: {  	[sflag:s4] =	ssyncadd.s32 $0xFFFFF000  }
.LBB2_1:
0x2e: {  	[dreg:$0xa] =	wrdreg s6;
	s0 =	simm.s32 $0x0  }
0x2f: {  	s4 =	rddreg [dreg:$0x4];
	s20 =	simm.s32 $0x8000;
	s21 =	simm.s32 $0x11  }
0x30: {  	[tilespmem:s20], [sflag:$0x11] =	stream.linear.gather [hbm4b:s4+s0], $0x10000, $0x38;
	[tilespmem:$0x18000] =	vst v63  }
0x31: {  	_ =	swait.ge [sflag:s21], $0x10000  }
0x32: {  	[sflag:s21] =	ssyncset.done $0x0  }
0x33: {  	s22 =	rddreg [dreg:$0x5];
	[sflag:s21] =	ssyncadd.s32 $0xFFFF0000  }
0x34: {  	[tilespmem:s0], [sflag:$0x1] =	stream.strided.gather [hbm4b:s22+s16], $0x1000, s17, s16, $0x38;
	[tilespmem:$0x18000] =	vst v63  }
0x35: {  	s24 =	simm.s32 $0x1000;
	s23 =	rddreg [dreg:$0x6]  }
0x36: {  	[tilespmem:s24], [sflag:$0x2] =	stream.strided.gather [hbm4b:s23+s16], $0x1000, s17, s16, $0x38;
	[tilespmem:$0x18000] =	vst v63  }
0x37: {  	s26 =	simm.s32 $0x2000;
	s25 =	rddreg [dreg:$0x7]  }
0x38: {  	[tilespmem:s26], [sflag:$0x3] =	stream.strided.gather [hbm4b:s25+s16], $0x1000, s17, s16, $0x38;
	[tilespmem:$0x18000] =	vst v63  }
0x39: {  	s6 =	simm.s32 $0x0;
	s28 =	rddreg [dreg:$0x8]  }
0x3a: {  	[tilespmem:s30], [sflag:$0x4] =	stream.strided.gather [hbm4b:s28+s16], $0x1000, s17, s16, $0x38;
	[tilespmem:$0x18000] =	vst v63  }
.LBB2_2:
0x3b: {  	s7 =	sshll.u32 s6, $0x5;
	s4 =	simm.s32 $0x0  }
0x3c: {  	s0 =	simm.s32 $0x1;
	s11 =	sand.u32 $0x20, s7;
	s28 =	sand.u32 $0x7, s4  }
0x3d: {  	s13 =	simm.s32 $0x0;
	_ =	swait.ge [sflag:s0], $0x1000;
	s9 =	sor.u32 s11, s28  }
0x3e: {  	s13 =	sand.u32 $0x180, s13;
	[sflag:s0] =	ssyncset.done $0x0;
	s9 =	sshll.u32 s9, $0xA  }
0x3f: {  	[sflag:s0] =	ssyncadd.s32 $0xFFFFF000;
	s9 =	sor.u32 s13, s9  }
0x40: {  	v0 =	vld [tilespmem:s9+$0x8070]  }
0x41: {  	v4 =	vld [tilespmem:s9+$0x8000]  }
0x42: {  	v5 =	vld [tilespmem:s9+$0x8010]  }
0x43: {  	v6 =	vld [tilespmem:s9+$0x8020]  }
0x44: {  	s7 =	sshll.u32 s28, $0x9;
	v1 =	vld [tilespmem:s9+$0x8030]  }
0x45: {  	s14 =	sor.u32 s13, s7;
	v3 =	vld [tilespmem:s9+$0x8040]  }
0x46: {  	s7 =	sor.u32 $0x70, s14;
	v2 =	vld [tilespmem:s9+$0x8050]  }
0x47: {  	[tilespmem:s7+$0x0] =	vst.add.f32.msk $0xffff, v0  }
0x48: {  	v0 =	vld [tilespmem:s9+$0x8060]  }
0x49: {  	s30 =	sor.u32 $0x10, s14;
	s15 =	sor.u32 $0x20, s14;
	[tilespmem:s14+$0x0] =	vst.add.f32.msk $0xffff, v4  }
0x4a: {  	s19 =	sor.u32 $0x30, s14;
	s18 =	sor.u32 $0x40, s14;
	s13 =	sor.u32 $0x50, s14;
	[tilespmem:s30+$0x0] =	vst.add.f32.msk $0xffff, v5  }
0x4b: {  	s7 =	simm.s32 $0x0;
	s14 =	sor.u32 $0x60, s14;
	[tilespmem:s15+$0x0] =	vst.add.f32.msk $0xffff, v6;
	s9 =	simm.s32 $0x1  }
.LBB2_3:
0x4c: {  	s15 =	sand.u32 $0x7, s9;
	s7 =	sadd.s32 $0x8, s7;
	[tilespmem:s19+$0x0] =	vst.add.f32.msk $0xffff, v1;
	s4 =	sadd.s32 $0x40, s4  }
0x4d: {  	s19 =	sor.u32 s11, s15;
	s20 =	sshrl.u32 s4, $0x2;
	p0 =	slt.u32 s7, $0xF8;
	[tilespmem:s18+$0x0] =	vst.add.f32.msk $0xffff, v3  }
0x4e: {  	s18 =	sshll.u32 s19, $0xA;
	s19 =	sand.u32 $0x180, s20;
	[tilespmem:s13+$0x0] =	vst.add.f32.msk $0xffff, v2  }
0x4f: {  	s20 =	sor.u32 s19, s18;
	[tilespmem:s14+$0x0] =	vst.add.f32.msk $0xffff, v0  }
0x50: {  	v0 =	vld [tilespmem:s20+$0x8070]  }
0x51: {  	v4 =	vld [tilespmem:s20+$0x8000]  }
0x52: {  	s13 =	sshll.u32 s15, $0x9;
	v5 =	vld [tilespmem:s20+$0x8010]  }
0x53: {  	s15 =	sor.u32 s19, s13;
	v6 =	vld [tilespmem:s20+$0x8020]  }
0x54: {  	s21 =	sor.u32 $0x10, s15;
	s22 =	sor.u32 $0x20, s15;
	s14 =	sor.u32 $0x70, s15;
	v1 =	vld [tilespmem:s20+$0x8030]  }
0x55: {  	s19 =	sor.u32 $0x30, s15;
	s18 =	sor.u32 $0x40, s15;
	s13 =	sor.u32 $0x50, s15;
	[tilespmem:s14+$0x0] =	vst.add.f32.msk $0xffff, v0  }
0x56: {  	s14 =	sor.u32 $0x60, s15;
	v3 =	vld [tilespmem:s20+$0x8040]  }
.Ltmp2:
0x57: {  	v2 =	vld [tilespmem:s20+$0x8050];
	(pc) =	sbr.rel @p0 .LBB2_3-.Ltmp2, $4  }
0x58: {  	v0 =	vld [tilespmem:s20+$0x8060]  }
0x59: {  	[tilespmem:s15+$0x0] =	vst.add.f32.msk $0xffff, v4  }
0x5a: {  	[tilespmem:s21+$0x0] =	vst.add.f32.msk $0xffff, v5  }
0x5b: {  	s9 =	sadd.s32 $0x1, s9;
	[tilespmem:s22+$0x0] =	vst.add.f32.msk $0xffff, v6  }
0x5c: {  	s4 =	sshll.u32 s6, $0xA  }
0x5d: {  	s7 =	sand.u32 $0x1800, s4  }
0x5e: {  	s15 =	sor.u32 s5, s7  }
0x5f: {  	[tilespmem:s19+$0x0] =	vst.add.f32.msk $0xffff, v1;
	s24 =	sor.u32 s11, s15  }
0x60: {  	[tilespmem:s18+$0x0] =	vst.add.f32.msk $0xffff, v3;
	s4 =	sshll.u32 s24, $0x7  }
0x61: {  	[tilespmem:s13+$0x0] =	vst.add.f32.msk $0xffff, v2;
	s0 =	simm.s32 $0x0;
	s4 =	sand.u32 $0xFF000, s4  }
0x62: {  	p0 =	seq.s32 s6, $0x0;
	s13 =	sor.u32 $0x10, s11;
	[tilespmem:s14+$0x0] =	vst.add.f32.msk $0xffff, v0;
	s9 =	sadd.s32 s3, s4  }
0x63: {  	[hbm4b:s9+s16] =	stream.strided.scatter [tilespmem:s0], [sflag:$0x9], $0x1000, s17, s16, $0x38;
	[tilespmem:$0x18000] =	vst v63  }
0x64: {  	s25 =	sor.u32 s13, s15;
	s9 =	simm.s32 @!p0 $0xD  }
0x65: {  	s14 =	sshll.u32 s25, $0x7;
	_ =	swait.ge @!p0 [sflag:s9], $0x1000  }
0x66: {  	s18 =	sand.u32 $0xFF800, s14;
	[sflag:s9] =	ssyncset.done @!p0 $0x0  }
0x67: {  	s14 =	simm.s32 $0x0;
	s26 =	sadd.s32 s1, s18;
	[sflag:s9] =	ssyncadd.s32 @!p0 $0xFFFFF000  }
0x68: {  	[tilespmem:s29], [sflag:$0x5] =	stream.strided.gather [hbm4b:s26+s16], $0x1000, s17, s16, $0x38;
	[tilespmem:$0x18000] =	vst v63  }
0x69: {  	s28 =	sand.u32 $0x7, s14;
	s29 =	simm.s32 $0x2  }
0x6a: {  	s20 =	simm.s32 $0x0;
	s30 =	sor.u32 s11, s28;
	_ =	swait.ge [sflag:s29], $0x1000  }
0x6b: {  	s20 =	sand.u32 $0x180, s20;
	s19 =	sshll.u32 s30, $0xA;
	[sflag:s29] =	ssyncset.done $0x0  }
0x6c: {  	s19 =	sor.u32 s20, s19;
	[sflag:s29] =	ssyncadd.s32 $0xFFFFF000  }
0x6d: {  	v1 =	vld [tilespmem:s19+$0x8270]  }
0x6e: {  	v4 =	vld [tilespmem:s19+$0x8200]  }
0x6f: {  	v5 =	vld [tilespmem:s19+$0x8210]  }
0x70: {  	v6 =	vld [tilespmem:s19+$0x8220]  }
0x71: {  	s9 =	sshll.u32 s28, $0x9;
	v0 =	vld [tilespmem:s19+$0x8230]  }
0x72: {  	s20 =	sor.u32 s20, s9;
	v2 =	vld [tilespmem:s19+$0x8250]  }
0x73: {  	s9 =	sor.u32 $0x1070, s20;
	v3 =	vld [tilespmem:s19+$0x8260]  }
0x74: {  	[tilespmem:s9+$0x0] =	vst.add.f32.msk $0xffff, v1  }
0x75: {  	s21 =	sor.u32 $0x1000, s20;
	v1 =	vld [tilespmem:s19+$0x8240]  }
0x76: {  	s22 =	sor.u32 $0x1010, s20;
	s23 =	sor.u32 $0x1020, s20;
	s26 =	sor.u32 $0x1030, s20;
	[tilespmem:s21+$0x0] =	vst.add.f32.msk $0xffff, v4  }
0x77: {  	s24 =	sor.u32 $0x1050, s20;
	s9 =	sshll.u32 s6, $0x3;
	s19 =	simm.s32 $0x0;
	[tilespmem:s22+$0x0] =	vst.add.f32.msk $0xffff, v5  }
0x78: {  	s21 =	sor.u32 $0x1040, s20;
	s22 =	sor.u32 $0x1060, s20;
	[tilespmem:s23+$0x0] =	vst.add.f32.msk $0xffff, v6;
	s20 =	simm.s32 $0x1  }
.LBB2_5:
0x79: {  	s23 =	sand.u32 $0x7, s20;
	s19 =	sadd.s32 $0x8, s19;
	[tilespmem:s26+$0x0] =	vst.add.f32.msk $0xffff, v0;
	s14 =	sadd.s32 $0x40, s14  }
0x7a: {  	s26 =	sor.u32 s11, s23;
	s29 =	sshrl.u32 s14, $0x2;
	p1 =	slt.u32 s19, $0xF8;
	[tilespmem:s21+$0x0] =	vst.add.f32.msk $0xffff, v1  }
0x7b: {  	s21 =	sshll.u32 s26, $0xA;
	s26 =	sand.u32 $0x180, s29;
	[tilespmem:s24+$0x0] =	vst.add.f32.msk $0xffff, v2  }
0x7c: {  	s29 =	sor.u32 s26, s21;
	[tilespmem:s22+$0x0] =	vst.add.f32.msk $0xffff, v3  }
0x7d: {  	v1 =	vld [tilespmem:s29+$0x8270]  }
0x7e: {  	v4 =	vld [tilespmem:s29+$0x8200]  }
0x7f: {  	s21 =	sshll.u32 s23, $0x9;
	v5 =	vld [tilespmem:s29+$0x8210]  }
0x80: {  	s22 =	sor.u32 s26, s21;
	v6 =	vld [tilespmem:s29+$0x8220]  }
0x81: {  	s23 =	sor.u32 $0x1000, s22;
	s25 =	sor.u32 $0x1010, s22;
	s24 =	sor.u32 $0x1070, s22;
	v0 =	vld [tilespmem:s29+$0x8230]  }
0x82: {  	s28 =	sor.u32 $0x1020, s22;
	s26 =	sor.u32 $0x1030, s22;
	s21 =	sor.u32 $0x1040, s22;
	[tilespmem:s24+$0x0] =	vst.add.f32.msk $0xffff, v1  }
0x83: {  	s24 =	sor.u32 $0x1050, s22;
	s22 =	sor.u32 $0x1060, s22;
	v1 =	vld [tilespmem:s29+$0x8240]  }
.Ltmp3:
0x84: {  	v2 =	vld [tilespmem:s29+$0x8250];
	(pc) =	sbr.rel @p1 .LBB2_5-.Ltmp3, $4  }
0x85: {  	v3 =	vld [tilespmem:s29+$0x8260]  }
0x86: {  	[tilespmem:s23+$0x0] =	vst.add.f32.msk $0xffff, v4  }
0x87: {  	[tilespmem:s25+$0x0] =	vst.add.f32.msk $0xffff, v5  }
0x88: {  	s20 =	sadd.s32 $0x1, s20;
	[tilespmem:s28+$0x0] =	vst.add.f32.msk $0xffff, v6  }
0x89: {  	[tilespmem:s26+$0x0] =	vst.add.f32.msk $0xffff, v0  }
0x8a: {  	[tilespmem:s21+$0x0] =	vst.add.f32.msk $0xffff, v1  }
0x8b: {  	[tilespmem:s24+$0x0] =	vst.add.f32.msk $0xffff, v2  }
0x8c: {  	s4 =	sadd.s32 s4, s12;
	s0 =	simm.s32 $0x1000;
	s23 =	sor.u32 s11, s5;
	[tilespmem:s22+$0x0] =	vst.add.f32.msk $0xffff, v3  }
0x8d: {  	[hbm4b:s4+s16] =	stream.strided.scatter [tilespmem:s0], [sflag:$0xA], $0x1000, s17, s16, $0x38;
	[tilespmem:$0x18000] =	vst v63  }
0x8e: {  	s20 =	simm.s32 @!p0 $0xE;
	s4 =	sor.u32 s7, s23  }
0x8f: {  	_ =	swait.ge @!p0 [sflag:s20], $0x1000;
	s19 =	sshll.u32 s4, $0x7  }
0x90: {  	[sflag:s20] =	ssyncset.done @!p0 $0x0;
	s14 =	sor.u32 $0x840, s19  }
0x91: {  	[sflag:s20] =	ssyncadd.s32 @!p0 $0xFFFFF000;
	s24 =	sadd.s32 s1, s14;
	s20 =	simm.s32 $0x0  }
0x92: {  	[tilespmem:s31], [sflag:$0x6] =	stream.strided.gather [hbm4b:s24+s16], $0x1000, s17, s16, $0x38;
	[tilespmem:$0x18000] =	vst v63  }
0x93: {  	s26 =	simm.s32 $0x3;
	s4 =	sor.u32 $0x8, s11;
	s25 =	sand.u32 $0x7, s20  }
0x94: {  	s23 =	simm.s32 $0x0;
	_ =	swait.ge [sflag:s26], $0x1000;
	s28 =	sor.u32 s4, s25  }
0x95: {  	s23 =	sand.u32 $0x180, s23;
	[sflag:s26] =	ssyncset.done $0x0;
	s22 =	sshll.u32 s28, $0xA  }
0x96: {  	[sflag:s26] =	ssyncadd.s32 $0xFFFFF000;
	s22 =	sor.u32 s23, s22  }
0x97: {  	v1 =	vld [tilespmem:s22+$0x8070]  }
0x98: {  	v4 =	vld [tilespmem:s22+$0x8000]  }
0x99: {  	v5 =	vld [tilespmem:s22+$0x8010]  }
0x9a: {  	v6 =	vld [tilespmem:s22+$0x8020]  }
0x9b: {  	s21 =	sshll.u32 s25, $0x9;
	v0 =	vld [tilespmem:s22+$0x8030]  }
0x9c: {  	s30 =	sor.u32 s23, s21;
	v3 =	vld [tilespmem:s22+$0x8040]  }
0x9d: {  	s21 =	sor.u32 $0x2070, s30;
	v2 =	vld [tilespmem:s22+$0x8050]  }
0x9e: {  	[tilespmem:s21+$0x0] =	vst.add.f32.msk $0xffff, v1  }
0x9f: {  	s31 =	sor.u32 $0x2000, s30;
	v1 =	vld [tilespmem:s22+$0x8060]  }
0xa0: {  	s24 =	simm.s32 $0x1;
	s25 =	sor.u32 $0x2010, s30;
	[tilespmem:s31+$0x0] =	vst.add.f32.msk $0xffff, v4  }
0xa1: {  	s28 =	sor.u32 $0x2020, s30;
	s23 =	sor.u32 $0x2030, s30;
	s29 =	sor.u32 $0x2040, s30;
	[tilespmem:s25+$0x0] =	vst.add.f32.msk $0xffff, v5  }
0xa2: {  	s26 =	sor.u32 $0x2060, s30;
	s22 =	simm.s32 $0x0;
	s21 =	sor.u32 $0x2050, s30;
	[tilespmem:s28+$0x0] =	vst.add.f32.msk $0xffff, v6  }
.LBB2_7:
0xa3: {  	s25 =	sand.u32 $0x7, s24;
	s22 =	sadd.s32 $0x8, s22;
	[tilespmem:s23+$0x0] =	vst.add.f32.msk $0xffff, v0;
	s20 =	sadd.s32 $0x40, s20  }
0xa4: {  	s23 =	sor.u32 s4, s25;
	s28 =	sshrl.u32 s20, $0x2;
	p1 =	slt.u32 s22, $0xF8;
	[tilespmem:s29+$0x0] =	vst.add.f32.msk $0xffff, v3  }
0xa5: {  	s23 =	sshll.u32 s23, $0xA;
	s28 =	sand.u32 $0x180, s28;
	[tilespmem:s21+$0x0] =	vst.add.f32.msk $0xffff, v2  }
0xa6: {  	s30 =	sor.u32 s28, s23;
	[tilespmem:s26+$0x0] =	vst.add.f32.msk $0xffff, v1  }
0xa7: {  	v1 =	vld [tilespmem:s30+$0x8070]  }
0xa8: {  	v4 =	vld [tilespmem:s30+$0x8000]  }
0xa9: {  	s21 =	sshll.u32 s25, $0x9;
	v5 =	vld [tilespmem:s30+$0x8010]  }
0xaa: {  	s25 =	sor.u32 s28, s21;
	v6 =	vld [tilespmem:s30+$0x8020]  }
0xab: {  	s28 =	sor.u32 $0x2000, s25;
	s31 =	sor.u32 $0x2010, s25;
	s21 =	sor.u32 $0x2070, s25;
	v0 =	vld [tilespmem:s30+$0x8030]  }
0xac: {  	s0 =	sor.u32 $0x2020, s25;
	s23 =	sor.u32 $0x2030, s25;
	s29 =	sor.u32 $0x2040, s25;
	[tilespmem:s21+$0x0] =	vst.add.f32.msk $0xffff, v1  }
0xad: {  	s26 =	sor.u32 $0x2060, s25;
	s21 =	sor.u32 $0x2050, s25;
	v3 =	vld [tilespmem:s30+$0x8040]  }
.Ltmp4:
0xae: {  	v2 =	vld [tilespmem:s30+$0x8050];
	(pc) =	sbr.rel @p1 .LBB2_7-.Ltmp4, $4  }
0xaf: {  	v1 =	vld [tilespmem:s30+$0x8060]  }
0xb0: {  	[tilespmem:s28+$0x0] =	vst.add.f32.msk $0xffff, v4  }
0xb1: {  	[tilespmem:s31+$0x0] =	vst.add.f32.msk $0xffff, v5  }
0xb2: {  	s24 =	sadd.s32 $0x1, s24;
	[tilespmem:s0+$0x0] =	vst.add.f32.msk $0xffff, v6  }
0xb3: {  	[tilespmem:s23+$0x0] =	vst.add.f32.msk $0xffff, v0;
	s0 =	sor.u32 s4, s15  }
0xb4: {  	[tilespmem:s29+$0x0] =	vst.add.f32.msk $0xffff, v3;
	s0 =	sshll.u32 s0, $0x7  }
0xb5: {  	[tilespmem:s21+$0x0] =	vst.add.f32.msk $0xffff, v2;
	s0 =	sand.u32 $0xFF400, s0  }
0xb6: {  	s20 =	simm.s32 $0x2000;
	s11 =	sor.u32 $0x18, s11;
	[tilespmem:s26+$0x0] =	vst.add.f32.msk $0xffff, v1;
	s0 =	sadd.s32 s3, s0  }
0xb7: {  	[hbm4b:s0+s16] =	stream.strided.scatter [tilespmem:s20], [sflag:$0xB], $0x1000, s17, s16, $0x38;
	[tilespmem:$0x18000] =	vst v63  }
0xb8: {  	s25 =	simm.s32 $0x6000;
	s23 =	sor.u32 s11, s15;
	s0 =	simm.s32 @!p0 $0xF  }
0xb9: {  	s28 =	simm.s32 $0x4;
	s15 =	sshll.u32 s23, $0x7;
	_ =	swait.ge @!p0 [sflag:s0], $0x1000  }
0xba: {  	s15 =	sand.u32 $0xFFC00, s15;
	s20 =	simm.s32 $0x0;
	[sflag:s0] =	ssyncset.done @!p0 $0x0  }
0xbb: {  	s24 =	sadd.s32 s1, s15;
	s26 =	sand.u32 $0x7, s20;
	[sflag:s0] =	ssyncadd.s32 @!p0 $0xFFFFF000  }
0xbc: {  	[tilespmem:s25], [sflag:$0x7] =	stream.strided.gather [hbm4b:s24+s16], $0x1000, s17, s16, $0x38;
	[tilespmem:$0x18000] =	vst v63  }
0xbd: {  	s22 =	simm.s32 $0x0;
	s30 =	sor.u32 s4, s26;
	_ =	swait.ge [sflag:s28], $0x1000  }
0xbe: {  	s22 =	sand.u32 $0x180, s22;
	s21 =	sshll.u32 s30, $0xA;
	[sflag:s28] =	ssyncset.done $0x0  }
0xbf: {  	s21 =	sor.u32 s22, s21;
	[sflag:s28] =	ssyncadd.s32 $0xFFFFF000  }
0xc0: {  	v1 =	vld [tilespmem:s21+$0x8270]  }
0xc1: {  	v4 =	vld [tilespmem:s21+$0x8200]  }
0xc2: {  	v5 =	vld [tilespmem:s21+$0x8210]  }
0xc3: {  	v6 =	vld [tilespmem:s21+$0x8220]  }
0xc4: {  	s0 =	sshll.u32 s26, $0x9;
	v0 =	vld [tilespmem:s21+$0x8230]  }
0xc5: {  	s0 =	sor.u32 s22, s0;
	v3 =	vld [tilespmem:s21+$0x8240]  }
0xc6: {  	s22 =	sor.u32 $0x3070, s0;
	v2 =	vld [tilespmem:s21+$0x8250]  }
0xc7: {  	[tilespmem:s22+$0x0] =	vst.add.f32.msk $0xffff, v1  }
0xc8: {  	s31 =	sor.u32 $0x3000, s0;
	v1 =	vld [tilespmem:s21+$0x8260]  }
0xc9: {  	s24 =	sor.u32 $0x3010, s0;
	s25 =	sor.u32 $0x3020, s0;
	[tilespmem:s31+$0x0] =	vst.add.f32.msk $0xffff, v4  }
0xca: {  	s23 =	sor.u32 $0x3030, s0;
	s29 =	sor.u32 $0x3050, s0;
	s26 =	sor.u32 $0x3060, s0;
	[tilespmem:s24+$0x0] =	vst.add.f32.msk $0xffff, v5  }
0xcb: {  	s22 =	simm.s32 $0x0;
	s21 =	sor.u32 $0x3040, s0;
	[tilespmem:s25+$0x0] =	vst.add.f32.msk $0xffff, v6;
	s24 =	simm.s32 $0x1  }
.LBB2_9:
0xcc: {  	s0 =	sand.u32 $0x7, s24;
	s22 =	sadd.s32 $0x8, s22;
	[tilespmem:s23+$0x0] =	vst.add.f32.msk $0xffff, v0;
	s20 =	sadd.s32 $0x40, s20  }
0xcd: {  	s23 =	sor.u32 s4, s0;
	s25 =	sshrl.u32 s20, $0x2;
	p1 =	slt.u32 s22, $0xF8;
	[tilespmem:s21+$0x0] =	vst.add.f32.msk $0xffff, v3  }
0xce: {  	s21 =	sshll.u32 s23, $0xA;
	s23 =	sand.u32 $0x180, s25;
	[tilespmem:s29+$0x0] =	vst.add.f32.msk $0xffff, v2  }
0xcf: {  	s25 =	sor.u32 s23, s21;
	[tilespmem:s26+$0x0] =	vst.add.f32.msk $0xffff, v1  }
0xd0: {  	v1 =	vld [tilespmem:s25+$0x8270]  }
0xd1: {  	v4 =	vld [tilespmem:s25+$0x8200]  }
0xd2: {  	s0 =	sshll.u32 s0, $0x9;
	v5 =	vld [tilespmem:s25+$0x8210]  }
0xd3: {  	s0 =	sor.u32 s23, s0;
	v6 =	vld [tilespmem:s25+$0x8220]  }
0xd4: {  	s28 =	sor.u32 $0x3000, s0;
	s30 =	sor.u32 $0x3010, s0;
	s26 =	sor.u32 $0x3070, s0;
	v0 =	vld [tilespmem:s25+$0x8230]  }
0xd5: {  	s31 =	sor.u32 $0x3020, s0;
	s23 =	sor.u32 $0x3030, s0;
	s21 =	sor.u32 $0x3040, s0;
	[tilespmem:s26+$0x0] =	vst.add.f32.msk $0xffff, v1  }
0xd6: {  	s29 =	sor.u32 $0x3050, s0;
	s26 =	sor.u32 $0x3060, s0;
	v3 =	vld [tilespmem:s25+$0x8240]  }
.Ltmp5:
0xd7: {  	v2 =	vld [tilespmem:s25+$0x8250];
	(pc) =	sbr.rel @p1 .LBB2_9-.Ltmp5, $4  }
0xd8: {  	v1 =	vld [tilespmem:s25+$0x8260]  }
0xd9: {  	[tilespmem:s28+$0x0] =	vst.add.f32.msk $0xffff, v4  }
0xda: {  	[tilespmem:s30+$0x0] =	vst.add.f32.msk $0xffff, v5  }
0xdb: {  	s24 =	sadd.s32 $0x1, s24;
	[tilespmem:s31+$0x0] =	vst.add.f32.msk $0xffff, v6  }
0xdc: {  	[tilespmem:s23+$0x0] =	vst.add.f32.msk $0xffff, v0;
	s0 =	sor.u32 s4, s7  }
0xdd: {  	[tilespmem:s21+$0x0] =	vst.add.f32.msk $0xffff, v3;
	s0 =	sor.u32 s5, s0  }
0xde: {  	[tilespmem:s29+$0x0] =	vst.add.f32.msk $0xffff, v2;
	s0 =	sshll.u32 s0, $0x7  }
0xdf: {  	s30 =	simm.s32 $0x3000;
	[tilespmem:s26+$0x0] =	vst.add.f32.msk $0xffff, v1;
	s0 =	sadd.s32 s0, s12  }
0xe0: {  	[hbm4b:s0+s16] =	stream.strided.scatter [tilespmem:s30], [sflag:$0xC], $0x1000, s17, s16, $0x38;
	[tilespmem:$0x18000] =	vst v63  }
0xe1: {  	s0 =	simm.s32 @!p0 $0x10  }
0xe2: {  	s7 =	sor.u32 $0xC40, s19;
	s23 =	simm.s32 $0x7000;
	_ =	swait.ge @!p0 [sflag:s0], $0x1000  }
0xe3: {  	s4 =	simm.s32 $0x0;
	s25 =	simm.s32 $0x5;
	[sflag:s0] =	ssyncset.done @!p0 $0x0  }
0xe4: {  	s22 =	sadd.s32 s1, s7;
	s24 =	sand.u32 $0x7, s4;
	[sflag:s0] =	ssyncadd.s32 @!p0 $0xFFFFF000  }
0xe5: {  	[tilespmem:s23], [sflag:$0x8] =	stream.strided.gather [hbm4b:s22+s16], $0x1000, s17, s16, $0x38;
	[tilespmem:$0x18000] =	vst v63  }
0xe6: {  	s20 =	simm.s32 $0x0;
	s26 =	sor.u32 s13, s24;
	_ =	swait.ge [sflag:s25], $0x1000  }
0xe7: {  	s20 =	sand.u32 $0x180, s20;
	s19 =	sshll.u32 s26, $0xA;
	[sflag:s25] =	ssyncset.done $0x0  }
0xe8: {  	s19 =	sor.u32 s20, s19;
	[sflag:s25] =	ssyncadd.s32 $0xFFFFF000  }
0xe9: {  	v1 =	vld [tilespmem:s19+$0x8070]  }
0xea: {  	v4 =	vld [tilespmem:s19+$0x8000]  }
0xeb: {  	v5 =	vld [tilespmem:s19+$0x8010]  }
0xec: {  	v6 =	vld [tilespmem:s19+$0x8020]  }
0xed: {  	s0 =	sshll.u32 s24, $0x9;
	v0 =	vld [tilespmem:s19+$0x8030]  }
0xee: {  	s0 =	sor.u32 s20, s0;
	v2 =	vld [tilespmem:s19+$0x8050]  }
0xef: {  	s20 =	sor.u32 $0x4070, s0;
	v3 =	vld [tilespmem:s19+$0x8060]  }
0xf0: {  	[tilespmem:s20+$0x0] =	vst.add.f32.msk $0xffff, v1  }
0xf1: {  	s28 =	sor.u32 $0x4000, s0;
	v1 =	vld [tilespmem:s19+$0x8040]  }
0xf2: {  	s29 =	sor.u32 $0x4010, s0;
	s31 =	sor.u32 $0x4020, s0;
	[tilespmem:s28+$0x0] =	vst.add.f32.msk $0xffff, v4  }
0xf3: {  	s23 =	sor.u32 $0x4030, s0;
	s22 =	sor.u32 $0x4040, s0;
	s24 =	sor.u32 $0x4050, s0;
	[tilespmem:s29+$0x0] =	vst.add.f32.msk $0xffff, v5  }
0xf4: {  	s21 =	sor.u32 $0x4060, s0;
	s19 =	simm.s32 $0x0;
	[tilespmem:s31+$0x0] =	vst.add.f32.msk $0xffff, v6;
	s20 =	simm.s32 $0x1  }
.LBB2_11:
0xf5: {  	s0 =	sand.u32 $0x7, s20;
	s19 =	sadd.s32 $0x8, s19;
	[tilespmem:s23+$0x0] =	vst.add.f32.msk $0xffff, v0;
	s4 =	sadd.s32 $0x40, s4  }
0xf6: {  	s23 =	sor.u32 s13, s0;
	s25 =	sshrl.u32 s4, $0x2;
	p0 =	slt.u32 s19, $0xF8;
	[tilespmem:s22+$0x0] =	vst.add.f32.msk $0xffff, v1  }
0xf7: {  	s22 =	sshll.u32 s23, $0xA;
	s23 =	sand.u32 $0x180, s25;
	[tilespmem:s24+$0x0] =	vst.add.f32.msk $0xffff, v2  }
0xf8: {  	s25 =	sor.u32 s23, s22;
	[tilespmem:s21+$0x0] =	vst.add.f32.msk $0xffff, v3  }
0xf9: {  	v1 =	vld [tilespmem:s25+$0x8070]  }
0xfa: {  	v4 =	vld [tilespmem:s25+$0x8000]  }
0xfb: {  	s0 =	sshll.u32 s0, $0x9;
	v5 =	vld [tilespmem:s25+$0x8010]  }
0xfc: {  	s0 =	sor.u32 s23, s0;
	v6 =	vld [tilespmem:s25+$0x8020]  }
0xfd: {  	s26 =	sor.u32 $0x4000, s0;
	s28 =	sor.u32 $0x4010, s0;
	s21 =	sor.u32 $0x4070, s0;
	v0 =	vld [tilespmem:s25+$0x8030]  }
0xfe: {  	s29 =	sor.u32 $0x4020, s0;
	s23 =	sor.u32 $0x4030, s0;
	s22 =	sor.u32 $0x4040, s0;
	[tilespmem:s21+$0x0] =	vst.add.f32.msk $0xffff, v1  }
0xff: {  	s24 =	sor.u32 $0x4050, s0;
	s21 =	sor.u32 $0x4060, s0;
	v1 =	vld [tilespmem:s25+$0x8040]  }
.Ltmp6:
0x100: {  	v2 =	vld [tilespmem:s25+$0x8050];
	(pc) =	sbr.rel @p0 .LBB2_11-.Ltmp6, $4  }
0x101: {  	v3 =	vld [tilespmem:s25+$0x8060]  }
0x102: {  	[tilespmem:s26+$0x0] =	vst.add.f32.msk $0xffff, v4  }
0x103: {  	[tilespmem:s28+$0x0] =	vst.add.f32.msk $0xffff, v5  }
0x104: {  	s20 =	sadd.s32 $0x1, s20;
	[tilespmem:s29+$0x0] =	vst.add.f32.msk $0xffff, v6  }
0x105: {  	[tilespmem:s23+$0x0] =	vst.add.f32.msk $0xffff, v0  }
0x106: {  	[tilespmem:s22+$0x0] =	vst.add.f32.msk $0xffff, v1  }
0x107: {  	[tilespmem:s24+$0x0] =	vst.add.f32.msk $0xffff, v2  }
0x108: {  	s0 =	sadd.s32 s3, s18;
	s29 =	simm.s32 $0x4000;
	p0 =	seq.s32 s6, $0x7;
	[tilespmem:s21+$0x0] =	vst.add.f32.msk $0xffff, v3  }
0x109: {  	[hbm4b:s0+s16] =	stream.strided.scatter [tilespmem:s29], [sflag:$0xD], $0x1000, s17, s16, $0x38;
	[tilespmem:$0x18000] =	vst v63  }
0x10a: {  	s0 =	sadd.s32 @!p0 $0x8, s9  }
0x10b: {  	s4 =	sshll.u32 @!p0 s0, $0x2;
	s0 =	sshll.u32 @!p0 s0, $0x7  }
0x10c: {  	s18 =	simm.s32 @!p0 $0x9;
	s4 =	sand.u32 @!p0 $0x20, s4;
	s0 =	sand.u32 @!p0 $0x3800, s0  }
0x10d: {  	_ =	swait.ge @!p0 [sflag:s18], $0x1000;
	s0 =	sor.u32 @!p0 s4, s0  }
0x10e: {  	[sflag:s18] =	ssyncset.done @!p0 $0x0;
	s0 =	sor.u32 @!p0 s5, s0  }
0x10f: {  	s19 =	simm.s32 @!p0 $0x0;
	[sflag:s18] =	ssyncadd.s32 @!p0 $0xFFFFF000;
	s0 =	sshll.u32 @!p0 s0, $0x7  }
0x110: {  	s4 =	simm.s32 @!p0 $0x200;
	s18 =	simm.s32 @!p0 $0x400;
	s0 =	sadd.s32 @!p0 s1, s0  }
0x111: {  	[tilespmem:s19], [sflag:$0x1] =	stream.strided.gather @!p0 [hbm4b:s0+s4], $0x1000, s18, s4, $0x38;
	[tilespmem:$0x18000] =	vst v63  }
0x112: {  	s4 =	simm.s32 $0x0  }
0x113: {  	s20 =	simm.s32 $0x6;
	s22 =	sand.u32 $0x7, s4  }
0x114: {  	s24 =	simm.s32 $0x0;
	_ =	swait.ge [sflag:s20], $0x1000;
	s23 =	sor.u32 s13, s22  }
0x115: {  	s19 =	sand.u32 $0x180, s24;
	[sflag:s20] =	ssyncset.done $0x0;
	s18 =	sshll.u32 s23, $0xA  }
0x116: {  	[sflag:s20] =	ssyncadd.s32 $0xFFFFF000;
	s18 =	sor.u32 s19, s18  }
0x117: {  	v1 =	vld [tilespmem:s18+$0x8270]  }
0x118: {  	v4 =	vld [tilespmem:s18+$0x8200]  }
0x119: {  	v5 =	vld [tilespmem:s18+$0x8210]  }
0x11a: {  	v6 =	vld [tilespmem:s18+$0x8220]  }
0x11b: {  	s0 =	sshll.u32 s22, $0x9;
	v0 =	vld [tilespmem:s18+$0x8230]  }
0x11c: {  	s0 =	sor.u32 s19, s0;
	v2 =	vld [tilespmem:s18+$0x8250]  }
0x11d: {  	s19 =	sor.u32 $0x5070, s0;
	v3 =	vld [tilespmem:s18+$0x8260]  }
0x11e: {  	[tilespmem:s19+$0x0] =	vst.add.f32.msk $0xffff, v1  }
0x11f: {  	s25 =	sor.u32 $0x5000, s0;
	v1 =	vld [tilespmem:s18+$0x8240]  }
0x120: {  	s31 =	simm.s32 $0x5000;
	s26 =	sor.u32 $0x5010, s0;
	s28 =	sor.u32 $0x5020, s0;
	[tilespmem:s25+$0x0] =	vst.add.f32.msk $0xffff, v4  }
0x121: {  	s23 =	sor.u32 $0x5030, s0;
	s21 =	sor.u32 $0x5040, s0;
	s22 =	sor.u32 $0x5050, s0;
	[tilespmem:s26+$0x0] =	vst.add.f32.msk $0xffff, v5  }
0x122: {  	s20 =	sor.u32 $0x5060, s0;
	s18 =	simm.s32 $0x0;
	[tilespmem:s28+$0x0] =	vst.add.f32.msk $0xffff, v6;
	s19 =	simm.s32 $0x1  }
.LBB2_13:
0x123: {  	s0 =	sand.u32 $0x7, s19;
	s18 =	sadd.s32 $0x8, s18;
	[tilespmem:s23+$0x0] =	vst.add.f32.msk $0xffff, v0;
	s4 =	sadd.s32 $0x40, s4  }
0x124: {  	s23 =	sor.u32 s13, s0;
	s24 =	sshrl.u32 s4, $0x2;
	p1 =	slt.u32 s18, $0xF8;
	[tilespmem:s21+$0x0] =	vst.add.f32.msk $0xffff, v1  }
0x125: {  	s21 =	sshll.u32 s23, $0xA;
	s23 =	sand.u32 $0x180, s24;
	[tilespmem:s22+$0x0] =	vst.add.f32.msk $0xffff, v2  }
0x126: {  	s24 =	sor.u32 s23, s21;
	[tilespmem:s20+$0x0] =	vst.add.f32.msk $0xffff, v3  }
0x127: {  	v1 =	vld [tilespmem:s24+$0x8270]  }
0x128: {  	v4 =	vld [tilespmem:s24+$0x8200]  }
0x129: {  	s0 =	sshll.u32 s0, $0x9;
	v5 =	vld [tilespmem:s24+$0x8210]  }
0x12a: {  	s0 =	sor.u32 s23, s0;
	v6 =	vld [tilespmem:s24+$0x8220]  }
0x12b: {  	s25 =	sor.u32 $0x5000, s0;
	s26 =	sor.u32 $0x5010, s0;
	s20 =	sor.u32 $0x5070, s0;
	v0 =	vld [tilespmem:s24+$0x8230]  }
0x12c: {  	s28 =	sor.u32 $0x5020, s0;
	s23 =	sor.u32 $0x5030, s0;
	s21 =	sor.u32 $0x5040, s0;
	[tilespmem:s20+$0x0] =	vst.add.f32.msk $0xffff, v1  }
0x12d: {  	s22 =	sor.u32 $0x5050, s0;
	s20 =	sor.u32 $0x5060, s0;
	v1 =	vld [tilespmem:s24+$0x8240]  }
.Ltmp7:
0x12e: {  	v2 =	vld [tilespmem:s24+$0x8250];
	(pc) =	sbr.rel @p1 .LBB2_13-.Ltmp7, $4  }
0x12f: {  	v3 =	vld [tilespmem:s24+$0x8260]  }
0x130: {  	[tilespmem:s25+$0x0] =	vst.add.f32.msk $0xffff, v4  }
0x131: {  	[tilespmem:s26+$0x0] =	vst.add.f32.msk $0xffff, v5  }
0x132: {  	s19 =	sadd.s32 $0x1, s19;
	[tilespmem:s28+$0x0] =	vst.add.f32.msk $0xffff, v6  }
0x133: {  	[tilespmem:s23+$0x0] =	vst.add.f32.msk $0xffff, v0  }
0x134: {  	[tilespmem:s21+$0x0] =	vst.add.f32.msk $0xffff, v1  }
0x135: {  	[tilespmem:s22+$0x0] =	vst.add.f32.msk $0xffff, v2  }
0x136: {  	s0 =	sadd.s32 s3, s14;
	[tilespmem:s20+$0x0] =	vst.add.f32.msk $0xffff, v3  }
0x137: {  	[hbm4b:s0+s16] =	stream.strided.scatter [tilespmem:s31], [sflag:$0xE], $0x1000, s17, s16, $0x38;
	[tilespmem:$0x18000] =	vst v63  }
0x138: {  	s0 =	sadd.s32 @!p0 $0x9, s9  }
0x139: {  	s4 =	sshll.u32 @!p0 s0, $0x2;
	s0 =	sshll.u32 @!p0 s0, $0x7  }
0x13a: {  	s13 =	simm.s32 @!p0 $0xA;
	s4 =	sand.u32 @!p0 $0x20, s4;
	s0 =	sand.u32 @!p0 $0x3800, s0  }
0x13b: {  	_ =	swait.ge @!p0 [sflag:s13], $0x1000;
	s0 =	sor.u32 @!p0 s4, s0  }
0x13c: {  	[sflag:s13] =	ssyncset.done @!p0 $0x0;
	s0 =	sor.u32 @!p0 s5, s0  }
0x13d: {  	s14 =	simm.s32 @!p0 $0x1000;
	[sflag:s13] =	ssyncadd.s32 @!p0 $0xFFFFF000;
	s0 =	sshll.u32 @!p0 s0, $0x7  }
0x13e: {  	s4 =	simm.s32 @!p0 $0x200;
	s13 =	simm.s32 @!p0 $0x400;
	s0 =	sadd.s32 @!p0 s0, s8  }
0x13f: {  	[tilespmem:s14], [sflag:$0x2] =	stream.strided.gather @!p0 [hbm4b:s0+s4], $0x1000, s13, s4, $0x38;
	[tilespmem:$0x18000] =	vst v63  }
0x140: {  	s4 =	simm.s32 $0x0  }
0x141: {  	s23 =	simm.s32 $0x7;
	s22 =	sor.u32 s11, s4  }
0x142: {  	s24 =	simm.s32 $0x0;
	_ =	swait.ge [sflag:s23], $0x1000;
	s0 =	sshll.u32 s22, $0xA  }
0x143: {  	s13 =	sand.u32 $0x180, s24;
	[sflag:s23] =	ssyncset.done $0x0;
	s0 =	sand.u32 $0x3FFFFC00, s0  }
0x144: {  	[sflag:s23] =	ssyncadd.s32 $0xFFFFF000;
	s0 =	sor.u32 s13, s0  }
0x145: {  	v1 =	vld [tilespmem:s0+$0x8070]  }
0x146: {  	v4 =	vld [tilespmem:s0+$0x8000]  }
0x147: {  	v5 =	vld [tilespmem:s0+$0x8010]  }
0x148: {  	s25 =	sand.u32 $0x3800, s4;
	v6 =	vld [tilespmem:s0+$0x8020]  }
0x149: {  	s14 =	sshrl.u32 s25, $0x2;
	v0 =	vld [tilespmem:s0+$0x8030]  }
0x14a: {  	s14 =	sor.u32 s13, s14;
	v2 =	vld [tilespmem:s0+$0x8050]  }
0x14b: {  	s13 =	sor.u32 $0x6070, s14;
	v3 =	vld [tilespmem:s0+$0x8060]  }
0x14c: {  	[tilespmem:s13+$0x0] =	vst.add.f32.msk $0xffff, v1  }
0x14d: {  	s18 =	sor.u32 $0x6000, s14;
	v1 =	vld [tilespmem:s0+$0x8040]  }
0x14e: {  	s26 =	sor.u32 $0x6010, s14;
	s28 =	sor.u32 $0x6020, s14;
	s22 =	sor.u32 $0x6030, s14;
	[tilespmem:s18+$0x0] =	vst.add.f32.msk $0xffff, v4  }
0x14f: {  	s20 =	sor.u32 $0x6040, s14;
	s21 =	sor.u32 $0x6050, s14;
	s19 =	sor.u32 $0x6060, s14;
	[tilespmem:s26+$0x0] =	vst.add.f32.msk $0xffff, v5  }
0x150: {  	s14 =	simm.s32 $0x1;
	s13 =	simm.s32 $0x0;
	[tilespmem:s28+$0x0] =	vst.add.f32.msk $0xffff, v6;
	s18 =	simm.s32 $0x0  }
.LBB2_15:
0x151: {  	s0 =	sor.u32 s11, s14;
	s13 =	sadd.s32 $0x8, s13;
	[tilespmem:s22+$0x0] =	vst.add.f32.msk $0xffff, v0;
	s4 =	sadd.s32 $0x40, s4  }
0x152: {  	s0 =	sshll.u32 s0, $0xA;
	s22 =	sshrl.u32 s4, $0x2;
	p1 =	slt.u32 s13, $0xF8;
	[tilespmem:s20+$0x0] =	vst.add.f32.msk $0xffff, v1  }
0x153: {  	s0 =	sand.u32 $0x3FFFFC00, s0;
	s20 =	sand.u32 $0x180, s22;
	[tilespmem:s21+$0x0] =	vst.add.f32.msk $0xffff, v2  }
0x154: {  	s0 =	sor.u32 s20, s0;
	[tilespmem:s19+$0x0] =	vst.add.f32.msk $0xffff, v3  }
0x155: {  	s18 =	sadd.s32 $0x800, s18;
	v1 =	vld [tilespmem:s0+$0x8070]  }
0x156: {  	s19 =	sand.u32 $0x3800, s18;
	v4 =	vld [tilespmem:s0+$0x8000]  }
0x157: {  	s19 =	sshrl.u32 s19, $0x2;
	v5 =	vld [tilespmem:s0+$0x8010]  }
0x158: {  	s19 =	sor.u32 s20, s19;
	v6 =	vld [tilespmem:s0+$0x8020]  }
0x159: {  	s23 =	sor.u32 $0x6000, s19;
	s24 =	sor.u32 $0x6010, s19;
	s21 =	sor.u32 $0x6070, s19;
	v0 =	vld [tilespmem:s0+$0x8030]  }
0x15a: {  	s25 =	sor.u32 $0x6020, s19;
	s22 =	sor.u32 $0x6030, s19;
	s20 =	sor.u32 $0x6040, s19;
	[tilespmem:s21+$0x0] =	vst.add.f32.msk $0xffff, v1  }
0x15b: {  	s21 =	sor.u32 $0x6050, s19;
	s19 =	sor.u32 $0x6060, s19;
	v1 =	vld [tilespmem:s0+$0x8040]  }
.Ltmp8:
0x15c: {  	v2 =	vld [tilespmem:s0+$0x8050];
	(pc) =	sbr.rel @p1 .LBB2_15-.Ltmp8, $4  }
0x15d: {  	v3 =	vld [tilespmem:s0+$0x8060]  }
0x15e: {  	[tilespmem:s23+$0x0] =	vst.add.f32.msk $0xffff, v4  }
0x15f: {  	[tilespmem:s24+$0x0] =	vst.add.f32.msk $0xffff, v5  }
0x160: {  	s14 =	sadd.s32 $0x1, s14;
	[tilespmem:s25+$0x0] =	vst.add.f32.msk $0xffff, v6  }
0x161: {  	[tilespmem:s22+$0x0] =	vst.add.f32.msk $0xffff, v0  }
0x162: {  	[tilespmem:s20+$0x0] =	vst.add.f32.msk $0xffff, v1  }
0x163: {  	[tilespmem:s21+$0x0] =	vst.add.f32.msk $0xffff, v2  }
0x164: {  	s0 =	sadd.s32 s3, s15;
	s4 =	simm.s32 $0x6000;
	[tilespmem:s19+$0x0] =	vst.add.f32.msk $0xffff, v3  }
0x165: {  	[hbm4b:s0+s16] =	stream.strided.scatter [tilespmem:s4], [sflag:$0xF], $0x1000, s17, s16, $0x38;
	[tilespmem:$0x18000] =	vst v63  }
0x166: {  	s0 =	sadd.s32 @!p0 $0xA, s9  }
0x167: {  	s4 =	sshll.u32 @!p0 s0, $0x2;
	s0 =	sshll.u32 @!p0 s0, $0x7  }
0x168: {  	s13 =	simm.s32 @!p0 $0xB;
	s4 =	sand.u32 @!p0 $0x28, s4;
	s0 =	sand.u32 @!p0 $0x3800, s0  }
0x169: {  	_ =	swait.ge @!p0 [sflag:s13], $0x1000;
	s0 =	sor.u32 @!p0 s4, s0  }
0x16a: {  	[sflag:s13] =	ssyncset.done @!p0 $0x0;
	s0 =	sor.u32 @!p0 s5, s0  }
0x16b: {  	s14 =	simm.s32 @!p0 $0x2000;
	[sflag:s13] =	ssyncadd.s32 @!p0 $0xFFFFF000;
	s0 =	sshll.u32 @!p0 s0, $0x7  }
0x16c: {  	s4 =	simm.s32 @!p0 $0x200;
	s13 =	simm.s32 @!p0 $0x400;
	s0 =	sadd.s32 @!p0 s1, s0  }
0x16d: {  	[tilespmem:s14], [sflag:$0x3] =	stream.strided.gather @!p0 [hbm4b:s0+s4], $0x1000, s13, s4, $0x38;
	[tilespmem:$0x18000] =	vst v63  }
0x16e: {  	s4 =	simm.s32 $0x0  }
0x16f: {  	s22 =	sor.u32 s11, s4  }
0x170: {  	s23 =	simm.s32 $0x0;
	_ =	swait.ge [sflag:s2], $0x1000;
	s0 =	sshll.u32 s22, $0xA  }
0x171: {  	s13 =	sand.u32 $0x180, s23;
	[sflag:s2] =	ssyncset.done $0x0;
	s0 =	sand.u32 $0x3FFFFC00, s0  }
0x172: {  	[sflag:s2] =	ssyncadd.s32 $0xFFFFF000;
	s0 =	sor.u32 s13, s0  }
0x173: {  	v1 =	vld [tilespmem:s0+$0x8270]  }
0x174: {  	v4 =	vld [tilespmem:s0+$0x8200]  }
0x175: {  	v5 =	vld [tilespmem:s0+$0x8210]  }
0x176: {  	s24 =	sand.u32 $0x3800, s4;
	v6 =	vld [tilespmem:s0+$0x8220]  }
0x177: {  	s14 =	sshrl.u32 s24, $0x2;
	v0 =	vld [tilespmem:s0+$0x8230]  }
0x178: {  	s14 =	sor.u32 s13, s14;
	v2 =	vld [tilespmem:s0+$0x8250]  }
0x179: {  	s13 =	sor.u32 $0x7070, s14;
	v3 =	vld [tilespmem:s0+$0x8260]  }
0x17a: {  	[tilespmem:s13+$0x0] =	vst.add.f32.msk $0xffff, v1  }
0x17b: {  	s25 =	sor.u32 $0x7000, s14;
	v1 =	vld [tilespmem:s0+$0x8240]  }
0x17c: {  	s15 =	simm.s32 $0x0;
	s26 =	sor.u32 $0x7010, s14;
	s28 =	sor.u32 $0x7020, s14;
	[tilespmem:s25+$0x0] =	vst.add.f32.msk $0xffff, v4  }
0x17d: {  	s21 =	sor.u32 $0x7030, s14;
	s19 =	sor.u32 $0x7040, s14;
	s20 =	sor.u32 $0x7050, s14;
	[tilespmem:s26+$0x0] =	vst.add.f32.msk $0xffff, v5  }
0x17e: {  	s18 =	sor.u32 $0x7060, s14;
	s14 =	simm.s32 $0x1;
	s13 =	simm.s32 $0x0;
	[tilespmem:s28+$0x0] =	vst.add.f32.msk $0xffff, v6  }
.LBB2_17:
0x17f: {  	s0 =	sor.u32 s11, s14;
	s13 =	sadd.s32 $0x8, s13;
	[tilespmem:s21+$0x0] =	vst.add.f32.msk $0xffff, v0;
	s4 =	sadd.s32 $0x40, s4  }
0x180: {  	s0 =	sshll.u32 s0, $0xA;
	s21 =	sshrl.u32 s4, $0x2;
	p1 =	slt.u32 s13, $0xF8;
	[tilespmem:s19+$0x0] =	vst.add.f32.msk $0xffff, v1  }
0x181: {  	s0 =	sand.u32 $0x3FFFFC00, s0;
	s19 =	sand.u32 $0x180, s21;
	[tilespmem:s20+$0x0] =	vst.add.f32.msk $0xffff, v2  }
0x182: {  	s0 =	sor.u32 s19, s0;
	[tilespmem:s18+$0x0] =	vst.add.f32.msk $0xffff, v3  }
0x183: {  	s15 =	sadd.s32 $0x800, s15;
	v1 =	vld [tilespmem:s0+$0x8270]  }
0x184: {  	s18 =	sand.u32 $0x3800, s15;
	v4 =	vld [tilespmem:s0+$0x8200]  }
0x185: {  	s18 =	sshrl.u32 s18, $0x2;
	v5 =	vld [tilespmem:s0+$0x8210]  }
0x186: {  	s18 =	sor.u32 s19, s18;
	v6 =	vld [tilespmem:s0+$0x8220]  }
0x187: {  	s22 =	sor.u32 $0x7000, s18;
	s23 =	sor.u32 $0x7010, s18;
	s20 =	sor.u32 $0x7070, s18;
	v0 =	vld [tilespmem:s0+$0x8230]  }
0x188: {  	s24 =	sor.u32 $0x7020, s18;
	s21 =	sor.u32 $0x7030, s18;
	s19 =	sor.u32 $0x7040, s18;
	[tilespmem:s20+$0x0] =	vst.add.f32.msk $0xffff, v1  }
0x189: {  	s20 =	sor.u32 $0x7050, s18;
	s18 =	sor.u32 $0x7060, s18;
	v1 =	vld [tilespmem:s0+$0x8240]  }
.Ltmp9:
0x18a: {  	v2 =	vld [tilespmem:s0+$0x8250];
	(pc) =	sbr.rel @p1 .LBB2_17-.Ltmp9, $4  }
0x18b: {  	v3 =	vld [tilespmem:s0+$0x8260]  }
0x18c: {  	[tilespmem:s22+$0x0] =	vst.add.f32.msk $0xffff, v4  }
0x18d: {  	[tilespmem:s23+$0x0] =	vst.add.f32.msk $0xffff, v5  }
0x18e: {  	s14 =	sadd.s32 $0x1, s14;
	[tilespmem:s24+$0x0] =	vst.add.f32.msk $0xffff, v6  }
.Ltmp10:
0x18f: {  	[tilespmem:s21+$0x0] =	vst.add.f32.msk $0xffff, v0;
	(pc) =	sbr.rel @p0 .LBB2_20-.Ltmp10, $4  }
0x190: {  	[tilespmem:s19+$0x0] =	vst.add.f32.msk $0xffff, v1  }
0x191: {  	[tilespmem:s20+$0x0] =	vst.add.f32.msk $0xffff, v2  }
0x192: {  	s0 =	sadd.s32 s3, s7;
	s4 =	simm.s32 $0x7000;
	[tilespmem:s18+$0x0] =	vst.add.f32.msk $0xffff, v3  }
0x193: {  	[hbm4b:s0+s16] =	stream.strided.scatter [tilespmem:s4], [sflag:$0x10], $0x1000, s17, s16, $0x38;
	[tilespmem:$0x18000] =	vst v63  }
0x194: {  	s0 =	sadd.s32 $0xB, s9  }
0x195: {  	s4 =	sshll.u32 s0, $0x2;
	s0 =	sshll.u32 s0, $0x7  }
0x196: {  	s4 =	sand.u32 $0x28, s4;
	s0 =	sand.u32 $0x3800, s0  }
.Ltmp11:
0x197: {  	s0 =	sor.u32 s4, s0;
	(pc) =	sbr.rel .LBB2_2-.Ltmp11, $4  }
0x198: {  	_ =	swait.ge [sflag:s10], $0x1000;
	s0 =	sor.u32 s5, s0  }
0x199: {  	[sflag:s10] =	ssyncset.done $0x0;
	s0 =	sshll.u32 s0, $0x7  }
0x19a: {  	s6 =	sadd.s32 $0x1, s6;
	[sflag:s10] =	ssyncadd.s32 $0xFFFFF000;
	s0 =	sadd.s32 s0, s8  }
0x19b: {  	[tilespmem:s30], [sflag:$0x4] =	stream.strided.gather [hbm4b:s0+s16], $0x1000, s17, s16, $0x38;
	[tilespmem:$0x18000] =	vst v63  }
.LBB2_21:
0x19c: {  	_ =	sfence.sel $0x180000  }
0x19d: {  	[bflag:$0x0] =	sbarrier.arrive $0xFFFF  }
0x19e: {  	_ =	strace $0x90000047  }
0x19f: {  	s0 =	stileid.u32;
	[bflag:$0x2] =	sbarrier.arrive $0xFFFF  }
0x1a0: {  	p0 =	sne.s32 s0, $0x0;
	s0 =	rddreg [dreg:$0x3]  }
0x1a1: {  	s0 =	sadd.s32 @!p0 $0x100000, s0  }
0x1a2: {  	[sflag:s0] =	ssyncadd.tile.s32 @!p0 $0x1;
	_ =	shalt  }
.Lfunc_end2:
_tile_overlayer_lowered:
.L_overlay_start_2:
0x1a3: {  	(tag) =	ssettag $0x2  }
0x1a4: {  	s0 =	rddreg [dreg:$0x0];
	s2 =	stileid.u32  }
0x1a5: {  	s1 =	rddreg [dreg:$0x1];
	p0 =	sne.s32 s2, $0x0  }
0x1a6: {  	s3 =	rddreg [dreg:$0x2];
	[bflag:$0x3] =	sbarrier.arrive $0xFFFF;
	s2 =	simm.s32 @!p0 $0x1C11  }
0x1a7: {  	[timem:s3], [sflag:s2] =	dma.local @!p0 [hbm:s0], s1  }
0x1a8: {  	s0 =	simm.s32 @!p0 $0x11  }
0x1a9: {  	_ =	swait.ge @!p0 [sflag:s0], s1  }
0x1aa: {  	s1 =	ssub.s32 @!p0 $0x0, s1;
	[sflag:s0] =	ssyncset.done @!p0 $0x0  }
0x1ab: {  	[sflag:s0] =	ssyncadd.s32 @!p0 s1  }
0x1ac: {  	[bflag:$0x3] =	sbarrier.arrive $0xFFFF  }
0x1ad: {  	_ =	shalt  }

</sc_bundles>
